<compile_context>
chip_gen: v7x
topology: tpu7x:2x2x1
jax: 0.10.2.dev20260603
libtpu: 0.0.44.dev20260713+nightly
codegen_flags: <defaults>
</compile_context>

<pallas_src>
import functools

import jax
import jax.numpy as jnp
from jax import lax
from jax.experimental import pallas as pl
from jax.experimental.pallas import tpu as pltpu
from jax.experimental.pallas import tpu_sc as plsc

_SC_PARAMS = pltpu.CompilerParams(use_tc_tiling_on_sc=False)

_NC = 2
_NS = 16
_CHUNK = 128


def _round_up(a, b):
    return (a + b - 1) // b * b


def _copy_out(sh_ref, out_ref, c, s, Z, L_last):
    if L_last == Z:
        pltpu.sync_copy(sh_ref.at[pl.ds(s * Z, Z)],
                        out_ref.at[c, pl.ds(s * Z, Z)])
        return

    @pl.when(s == _NS - 1)
    def _():
        pltpu.sync_copy(sh_ref.at[pl.ds((_NS - 1) * Z, L_last)],
                        out_ref.at[c, pl.ds((_NS - 1) * Z, L_last)])

    @pl.when(s != _NS - 1)
    def _():
        pltpu.sync_copy(sh_ref.at[pl.ds(s * Z, Z)],
                        out_ref.at[c, pl.ds(s * Z, Z)])


def _make_deg_kernel(n_groups, gw, n_nodes, Z, w):
    gpw = n_groups // (_NC * _NS)
    n_sp = Z * _NS
    l_last = n_nodes - (_NS - 1) * Z
    mesh = plsc.VectorSubcoreMesh(core_axis_name="c", subcore_axis_name="s")

    @functools.partial(
        pl.kernel,
        out_type=jax.ShapeDtypeStruct((_NC, n_nodes, w), jnp.float32),
        mesh=mesh,
        compiler_params=_SC_PARAMS,
        scratch_types=[
            pltpu.VMEM((gpw, gw), jnp.int32),
            pltpu.VMEM((gw, w), jnp.float32),
            pltpu.VMEM_SHARED((n_sp, w), jnp.float32),
        ],
    )
    def deg_kernel(dst_hbm, ones_hbm, zeros_hbm, out_hbm, dst_v, ones_v, deg_sh):
        c = lax.axis_index("c")
        s = lax.axis_index("s")
        wid = c * _NS + s
        pltpu.sync_copy(zeros_hbm, deg_sh.at[pl.ds(s * Z, Z)])
        pltpu.sync_copy(ones_hbm, ones_v)
        pltpu.sync_copy(dst_hbm.at[pl.ds(wid * gpw, gpw)], dst_v)
        plsc.subcore_barrier()

        def body(g, carry):
            pltpu.sync_copy(ones_v, deg_sh.at[dst_v.at[g]], add=True)
            return carry

        lax.fori_loop(0, gpw, body, 0)
        plsc.subcore_barrier()
        _copy_out(deg_sh, out_hbm, c, s, Z, l_last)

    return deg_kernel


def _make_agg_kernel(n_groups, gw, n_nodes, Z, h):
    gpw = n_groups // (_NC * _NS)
    n_sp = Z * _NS
    l_last = n_nodes - (_NS - 1) * Z
    mesh = plsc.VectorSubcoreMesh(core_axis_name="c", subcore_axis_name="s")

    @functools.partial(
        pl.kernel,
        out_type=jax.ShapeDtypeStruct((_NC, n_nodes, h), jnp.float32),
        mesh=mesh,
        compiler_params=_SC_PARAMS,
        scratch_types=[
            pltpu.VMEM((gpw, gw), jnp.int32),
            pltpu.VMEM((gpw, gw), jnp.int32),
            pltpu.VMEM((2, gw, h), jnp.float32),
            pltpu.VMEM_SHARED((n_sp, h), jnp.float32),
            pltpu.SemaphoreType.DMA,
        ],
    )
    def agg_kernel(src_hbm, dst_hbm, hp_hbm, zeros_hbm, out_hbm,
                   src_v, dst_v, rows_v, agg_sh, sem):
        c = lax.axis_index("c")
        s = lax.axis_index("s")
        wid = c * _NS + s
        pltpu.sync_copy(zeros_hbm, agg_sh.at[pl.ds(s * Z, Z)])
        pltpu.sync_copy(src_hbm.at[pl.ds(wid * gpw, gpw)], src_v)
        pltpu.sync_copy(dst_hbm.at[pl.ds(wid * gpw, gpw)], dst_v)
        plsc.subcore_barrier()

        pltpu.async_copy(hp_hbm.at[src_v.at[0]], rows_v.at[0], sem)

        def body(g, carry):
            cur = lax.rem(g, 2)
            nxt = 1 - cur

            @pl.when(g < gpw - 1)
            def _():
                pltpu.async_copy(hp_hbm.at[src_v.at[g + 1]],
                                 rows_v.at[nxt], sem)

            pltpu.make_async_copy(hp_hbm.at[src_v.at[0]], rows_v.at[cur],
                                  sem).wait()
            pltpu.sync_copy(rows_v.at[cur], agg_sh.at[dst_v.at[g]],
                            add=True)
            return carry

        lax.fori_loop(0, gpw, body, 0)
        plsc.subcore_barrier()
        _copy_out(agg_sh, out_hbm, c, s, Z, l_last)

    return agg_kernel




def _prep_body(degp_ref, x_ref, w_ref, dinv_ref, hp_ref):
    deg = degp_ref[0, :, 0:1] + degp_ref[1, :, 0:1] + 1.0
    dv = lax.rsqrt(deg)
    dinv_ref[...] = dv
    h = jnp.dot(x_ref[...], w_ref[...], preferred_element_type=jnp.float32)
    hp_ref[...] = h * dv


def _mid_body(p_ref, hp_ref, dinv_ref, b_ref, w_ref, o_ref):
    t = p_ref[0, :, :] + p_ref[1, :, :] + hp_ref[...]
    t = jnp.maximum(t * dinv_ref[...] + b_ref[...], 0.0)
    o_ref[...] = jnp.dot(t, w_ref[...],
                         preferred_element_type=jnp.float32) * dinv_ref[...]


def _fin_body(p_ref, hp_ref, dinv_ref, b_ref, wfc_ref, bfc_ref, o_ref):
    t = p_ref[0, :, :] + p_ref[1, :, :] + hp_ref[...]
    t = jnp.maximum(t * dinv_ref[...] + b_ref[...], 0.0)
    o_ref[...] = jnp.dot(t, wfc_ref[...],
                         preferred_element_type=jnp.float32) + bfc_ref[...]


def kernel(x, edge_index, batch, W1, b1, W2, b2, W3, b3, Wfc, bfc):
    n, d = x.shape
    h = W1.shape[1]
    o = Wfc.shape[1]
    e = edge_index.shape[1]
    f32 = jnp.float32

    nw = _NC * _NS
    gpw0 = max(1, -(-e // (nw * 512)))
    exact = (e % (nw * gpw0) == 0 and (e // (nw * gpw0)) % 4 == 0
             and n % _NS == 0)
    if exact:
        z = n // _NS
    else:
        z = _round_up(-(-(n + 1) // _NS), 8)
    n_sp = z * _NS
    if exact:
        n_groups = nw * gpw0
        gw = e // n_groups
        src = edge_index[0].reshape(n_groups, gw)
        dst = edge_index[1].reshape(n_groups, gw)
    else:
        gw = 4 * _CHUNK
        n_groups = _round_up(-(-e // gw), nw * 2)
        e_pad = n_groups * gw
        pad_ar = jnp.arange(e_pad - e, dtype=jnp.int32)
        src = jnp.concatenate(
            [edge_index[0], pad_ar % n]).reshape(n_groups, gw)
        dst = jnp.concatenate(
            [edge_index[1], n + pad_ar % (n_sp - n)]).reshape(n_groups, gw)

    ones16 = jnp.ones((gw, 16), f32)
    zeros16 = jnp.zeros((z, 16), f32)
    zeros_h = jnp.zeros((z, h), f32)

    deg_k = _make_deg_kernel(n_groups, gw, n, z, 16)
    agg_k = _make_agg_kernel(n_groups, gw, n, z, h)

    sds = jax.ShapeDtypeStruct
    degp = deg_k(dst, ones16, zeros16)
    dinv, h1p = pl.pallas_call(
        _prep_body, out_shape=(sds((n, 1), f32), sds((n, h), f32)))(degp, x, W1)

    b1r = b1.reshape(1, h)
    b2r = b2.reshape(1, h)
    b3r = b3.reshape(1, h)
    bfcr = bfc.reshape(1, o)

    p1 = agg_k(src, dst, h1p, zeros_h)
    h2p = pl.pallas_call(_mid_body, out_shape=sds((n, h), f32))(
        p1, h1p, dinv, b1r, W2)
    p2 = agg_k(src, dst, h2p, zeros_h)
    h3p = pl.pallas_call(_mid_body, out_shape=sds((n, h), f32))(
        p2, h2p, dinv, b2r, W3)
    p3 = agg_k(src, dst, h3p, zeros_h)
    out = pl.pallas_call(_fin_body, out_shape=sds((n, o), f32))(
        p3, h3p, dinv, b3r, Wfc, bfcr)
    return out

# --- scband reference (transcript-rebuilt; emitter-appended) ---
"""Pipeline reference for scband-gnn-61624190763180 (READ-ONLY COPY).

The authoritative reference and input builder live on the scoring server;
editing this copy changes nothing except your own understanding.
"""

import jax, jax.numpy as jnp
import numpy as np

N = 10000
E = 320000
D = 128
H = 64
O = 1


def gcn_conv(x, edge_index, W, b):
    # Faithful GCNConv: h = D^{-1/2} (A + I) D^{-1/2} X W + b
    n = x.shape[0]
    loop = jnp.arange(n, dtype=edge_index.dtype)
    src = jnp.concatenate([edge_index[0], loop])
    dst = jnp.concatenate([edge_index[1], loop])
    h = x @ W
    deg = jnp.zeros((n,), x.dtype).at[dst].add(1.0)
    dinv = jnp.where(deg > 0, deg ** -0.5, 0.0)
    norm = dinv[src] * dinv[dst]
    msg = h[src] * norm[:, None]
    out = jnp.zeros((n, W.shape[1]), x.dtype).at[dst].add(msg)
    return out + b


def setup_inputs(seed: int = 0) -> dict:
    key = jax.random.key(seed)
    ks = jax.random.split(key, 12)
    x = jax.random.normal(ks[0], (N, D), dtype=jnp.float32)
    edge_index = jax.random.randint(ks[1], (2, E), 0, N, dtype=jnp.int32)
    batch = jnp.zeros((N,), dtype=jnp.int32)
    W1 = jax.random.normal(ks[2], (D, H), dtype=jnp.float32) * (1.0 / np.sqrt(D))
    b1 = jnp.zeros((H,), dtype=jnp.float32)
    W2 = jax.random.normal(ks[3], (H, H), dtype=jnp.float32) * (1.0 / np.sqrt(H))
    b2 = jnp.zeros((H,), dtype=jnp.float32)
    W3 = jax.random.normal(ks[4], (H, H), dtype=jnp.float32) * (1.0 / np.sqrt(H))
    b3 = jnp.zeros((H,), dtype=jnp.float32)
    Wfc = jax.random.normal(ks[5], (H, O), dtype=jnp.float32) * (1.0 / np.sqrt(H))
    bfc = jnp.zeros((O,), dtype=jnp.float32)
    return {"x": x, "edge_index": edge_index, "batch": batch,
            "W1": W1, "b1": b1, "W2": W2, "b2": b2, "W3": W3, "b3": b3,
            "Wfc": Wfc, "bfc": bfc}


def reference(x, edge_index, batch, W1, b1, W2, b2, W3, b3, Wfc, bfc):
    # batch is accepted by the original forward but unused
    h = jax.nn.relu(gcn_conv(x, edge_index, W1, b1))
    h = jax.nn.relu(gcn_conv(h, edge_index, W2, b2))
    h = jax.nn.relu(gcn_conv(h, edge_index, W3, b3))
    return h @ Wfc + bfc

if __name__ == "__main__":
    import jax
    _d = setup_inputs()
    print(jax.jit(kernel)(*tuple(_d.values())))

</pallas_src>

<mosaic_0001>
#map = affine_map<(d0, d1) -> (0, 0)>
#map1 = affine_map<(d0, d1) -> (0, 0, 0)>
module attributes {stable_mosaic.version = 14 : i64} {
  func.func @agg_kernel(%arg0: i32, %arg1: i32, %arg2: memref<640x500xi32, #tpu.memory_space<hbm>>, %arg3: memref<640x500xi32, #tpu.memory_space<hbm>>, %arg4: memref<10000x64xf32, #tpu.memory_space<hbm>>, %arg5: memref<625x64xf32, #tpu.memory_space<hbm>>, %arg6: memref<2x10000x64xf32, #tpu.memory_space<hbm>>, %arg7: memref<20x500xi32, #tpu.memory_space<vmem>>, %arg8: memref<20x500xi32, #tpu.memory_space<vmem>>, %arg9: memref<2x500x64xf32, #tpu.memory_space<vmem>>, %arg10: memref<10000x64xf32, #tpu.memory_space<vmem_shared>>, %arg11: memref<!tpu.dma_semaphore, #tpu.memory_space<semaphore_mem>>) attributes {dimension_semantics = [#tpu.dimension_semantics<core_parallel>, #tpu.dimension_semantics<subcore_parallel>], iteration_bounds = array<i64: 2, 16>, scalar_prefetch = 0 : i64, scratch_operands = 5 : i64, tpu.core_type = #tpu.core_type<sc_vector_subcore>, window_params = [{transform_indices = #map}, {transform_indices = #map}, {transform_indices = #map}, {transform_indices = #map}, {transform_indices = #map1}]} {
    %mul3A = arith.constant 16 : i32
    %mul3A_0 = arith.muli %arg0, %mul3A : i32
    %add3A = arith.addi %mul3A_0, %arg1 : i32
    %mul3A_1 = arith.constant 625 : i32
    %mul3A_2 = arith.muli %arg1, %mul3A_1 : i32
    "tpu.region"() ({
      %run_scoped3A = tpu.sem_alloc : memref<!tpu.dma_semaphore, #tpu.memory_space<semaphore_mem>>
      %dma_start3A_28 = arith.constant 0 : i32
      %dma_start3A_29 = tpu.memref_slice %arg10[%mul3A_2, %dma_start3A_28] : memref<10000x64xf32, #tpu.memory_space<vmem_shared>> -> memref<625x64xf32, #tpu.memory_space<vmem_shared>>
      tpu.enqueue_dma source(%arg5 : memref<625x64xf32, #tpu.memory_space<hbm>>) target(%dma_start3A_29 : memref<625x64xf32, #tpu.memory_space<vmem_shared>>) target_semaphore(%run_scoped3A : memref<!tpu.dma_semaphore, #tpu.memory_space<semaphore_mem>>)
      %dma_wait3A = arith.constant 0 : i32
      %dma_wait3A_30 = tpu.memref_slice %arg10[%mul3A_2, %dma_wait3A] : memref<10000x64xf32, #tpu.memory_space<vmem_shared>> -> memref<625x64xf32, #tpu.memory_space<vmem_shared>>
      tpu.wait_dma2 semaphore(%run_scoped3A : memref<!tpu.dma_semaphore, #tpu.memory_space<semaphore_mem>>) src(%arg5 : memref<625x64xf32, #tpu.memory_space<hbm>>) dst(%dma_wait3A_30 : memref<625x64xf32, #tpu.memory_space<vmem_shared>>)
      tpu.yield
    }) : () -> ()
    %mul3A_3 = arith.constant 20 : i32
    %mul3A_4 = arith.muli %add3A, %mul3A_3 : i32
    "tpu.region"() ({
      %run_scoped3A = tpu.sem_alloc : memref<!tpu.dma_semaphore, #tpu.memory_space<semaphore_mem>>
      %dma_start3A_28 = arith.constant 0 : i32
      %dma_start3A_29 = tpu.memref_slice %arg2[%mul3A_4, %dma_start3A_28] : memref<640x500xi32, #tpu.memory_space<hbm>> -> memref<20x500xi32, #tpu.memory_space<hbm>>
      %dma_start3A_30 = arith.constant 0 : i32
      %dma_start3A_31 = tpu.memref_slice %arg2[%mul3A_4, %dma_start3A_30] : memref<640x500xi32, #tpu.memory_space<hbm>> -> memref<20x500xi32, #tpu.memory_space<hbm>>
      tpu.enqueue_dma source(%dma_start3A_31 : memref<20x500xi32, #tpu.memory_space<hbm>>) target(%arg7 : memref<20x500xi32, #tpu.memory_space<vmem>>) target_semaphore(%run_scoped3A : memref<!tpu.dma_semaphore, #tpu.memory_space<semaphore_mem>>)
      %dma_wait3A = arith.constant 0 : i32
      %dma_wait3A_32 = tpu.memref_slice %arg2[%mul3A_4, %dma_wait3A] : memref<640x500xi32, #tpu.memory_space<hbm>> -> memref<20x500xi32, #tpu.memory_space<hbm>>
      %dma_wait3A_33 = arith.constant 0 : i32
      %dma_wait3A_34 = tpu.memref_slice %arg2[%mul3A_4, %dma_wait3A_33] : memref<640x500xi32, #tpu.memory_space<hbm>> -> memref<20x500xi32, #tpu.memory_space<hbm>>
      tpu.wait_dma2 semaphore(%run_scoped3A : memref<!tpu.dma_semaphore, #tpu.memory_space<semaphore_mem>>) src(%dma_wait3A_34 : memref<20x500xi32, #tpu.memory_space<hbm>>) dst(%arg7 : memref<20x500xi32, #tpu.memory_space<vmem>>)
      tpu.yield
    }) : () -> ()
    %mul3A_5 = arith.constant 20 : i32
    %mul3A_6 = arith.muli %add3A, %mul3A_5 : i32
    "tpu.region"() ({
      %run_scoped3A = tpu.sem_alloc : memref<!tpu.dma_semaphore, #tpu.memory_space<semaphore_mem>>
      %dma_start3A_28 = arith.constant 0 : i32
      %dma_start3A_29 = tpu.memref_slice %arg3[%mul3A_6, %dma_start3A_28] : memref<640x500xi32, #tpu.memory_space<hbm>> -> memref<20x500xi32, #tpu.memory_space<hbm>>
      %dma_start3A_30 = arith.constant 0 : i32
      %dma_start3A_31 = tpu.memref_slice %arg3[%mul3A_6, %dma_start3A_30] : memref<640x500xi32, #tpu.memory_space<hbm>> -> memref<20x500xi32, #tpu.memory_space<hbm>>
      tpu.enqueue_dma source(%dma_start3A_31 : memref<20x500xi32, #tpu.memory_space<hbm>>) target(%arg8 : memref<20x500xi32, #tpu.memory_space<vmem>>) target_semaphore(%run_scoped3A : memref<!tpu.dma_semaphore, #tpu.memory_space<semaphore_mem>>)
      %dma_wait3A = arith.constant 0 : i32
      %dma_wait3A_32 = tpu.memref_slice %arg3[%mul3A_6, %dma_wait3A] : memref<640x500xi32, #tpu.memory_space<hbm>> -> memref<20x500xi32, #tpu.memory_space<hbm>>
      %dma_wait3A_33 = arith.constant 0 : i32
      %dma_wait3A_34 = tpu.memref_slice %arg3[%mul3A_6, %dma_wait3A_33] : memref<640x500xi32, #tpu.memory_space<hbm>> -> memref<20x500xi32, #tpu.memory_space<hbm>>
      tpu.wait_dma2 semaphore(%run_scoped3A : memref<!tpu.dma_semaphore, #tpu.memory_space<semaphore_mem>>) src(%dma_wait3A_34 : memref<20x500xi32, #tpu.memory_space<hbm>>) dst(%arg8 : memref<20x500xi32, #tpu.memory_space<vmem>>)
      tpu.yield
    }) : () -> ()
    %barrier3A = arith.constant 0 : index
    tpu.barrier barrier_id(%barrier3A)
    %dma_start3A = arith.constant 0 : i32
    %dma_start3A_7 = arith.constant 0 : i32
    %dma_start3A_8 = arith.constant 0 : i32
    %dma_start3A_9 = arith.constant 0 : i32
    %dma_start3A_10 = tpu.memref_slice %arg9[%dma_start3A_7, %dma_start3A_8, %dma_start3A_9] : memref<2x500x64xf32, #tpu.memory_space<vmem>> -> memref<1x500x64xf32, #tpu.memory_space<vmem>>
    %dma_start3A_11 = tpu.memref_squeeze %dma_start3A_10 : memref<1x500x64xf32, #tpu.memory_space<vmem>> -> memref<500x64xf32, #tpu.memory_space<vmem>>
    %dma_start3A_12 = arith.constant 0 : i32
    %dma_start3A_13 = tpu.memref_slice %arg7[%dma_start3A, %dma_start3A_12] : memref<20x500xi32, #tpu.memory_space<vmem>> -> memref<1x500xi32, #tpu.memory_space<vmem>>
    %dma_start3A_14 = tpu.memref_squeeze %dma_start3A_13 : memref<1x500xi32, #tpu.memory_space<vmem>> -> memref<500xi32, #tpu.memory_space<vmem>>
    %dma_start3A_15 = arith.constant 0 : i32
    %dma_start3A_16 = arith.constant 0 : i32
    %dma_start3A_17 = tpu.memref_slice %arg4[%dma_start3A_15, %dma_start3A_16] : memref<10000x64xf32, #tpu.memory_space<hbm>> -> memref<10000x64xf32, #tpu.memory_space<hbm>>
    tpu.enqueue_indirect_dma source(%dma_start3A_17 : memref<10000x64xf32, #tpu.memory_space<hbm>>) target(%dma_start3A_11 : memref<500x64xf32, #tpu.memory_space<vmem>>) offsets(%dma_start3A_14 : memref<500xi32, #tpu.memory_space<vmem>>) semaphore(%arg11 : memref<!tpu.dma_semaphore, #tpu.memory_space<semaphore_mem>>)
    %scan3A = arith.constant 0 : i32
    %scan3A_18 = arith.constant 0 : i32
    %scan3A_19 = arith.constant 20 : i32
    %scan3A_20 = arith.addi %scan3A_18, %scan3A_19 : i32
    %scan3A_21 = arith.constant 1 : i32
    scf.for %scan3A_28 = %scan3A_18 to %scan3A_20 step %scan3A_21  : i32 {
      %rem3A = arith.constant 2 : i32
      %rem3A_29 = arith.remsi %scan3A_28, %rem3A : i32
      %sub3A = arith.constant 1 : i32
      %sub3A_30 = arith.subi %sub3A, %rem3A_29 : i32
      %lt3A = arith.constant 19 : i32
      %lt3A_31 = arith.cmpi slt, %scan3A_28, %lt3A : i32
      %convert_element_type3A = arith.extui %lt3A_31 : i1 to i32
      %cond3A = arith.constant 0 : i32
      %cond3A_32 = arith.cmpi ne, %convert_element_type3A, %cond3A : i32
      scf.if %cond3A_32 {
        %add3A_43 = arith.constant 1 : i32
        %add3A_44 = arith.addi %scan3A_28, %add3A_43 : i32
        %dma_start3A_45 = arith.constant 0 : i32
        %dma_start3A_46 = arith.constant 0 : i32
        %dma_start3A_47 = tpu.memref_slice %arg9[%sub3A_30, %dma_start3A_45, %dma_start3A_46] : memref<2x500x64xf32, #tpu.memory_space<vmem>> -> memref<1x500x64xf32, #tpu.memory_space<vmem>>
        %dma_start3A_48 = tpu.memref_squeeze %dma_start3A_47 : memref<1x500x64xf32, #tpu.memory_space<vmem>> -> memref<500x64xf32, #tpu.memory_space<vmem>>
        %dma_start3A_49 = arith.constant 0 : i32
        %dma_start3A_50 = tpu.memref_slice %arg7[%add3A_44, %dma_start3A_49] : memref<20x500xi32, #tpu.memory_space<vmem>> -> memref<1x500xi32, #tpu.memory_space<vmem>>
        %dma_start3A_51 = tpu.memref_squeeze %dma_start3A_50 : memref<1x500xi32, #tpu.memory_space<vmem>> -> memref<500xi32, #tpu.memory_space<vmem>>
        %dma_start3A_52 = arith.constant 0 : i32
        %dma_start3A_53 = arith.constant 0 : i32
        %dma_start3A_54 = tpu.memref_slice %arg4[%dma_start3A_52, %dma_start3A_53] : memref<10000x64xf32, #tpu.memory_space<hbm>> -> memref<10000x64xf32, #tpu.memory_space<hbm>>
        tpu.enqueue_indirect_dma source(%dma_start3A_54 : memref<10000x64xf32, #tpu.memory_space<hbm>>) target(%dma_start3A_48 : memref<500x64xf32, #tpu.memory_space<vmem>>) offsets(%dma_start3A_51 : memref<500xi32, #tpu.memory_space<vmem>>) semaphore(%arg11 : memref<!tpu.dma_semaphore, #tpu.memory_space<semaphore_mem>>)
      } else {
      }
      %dma_wait3A = arith.constant 0 : i32
      %dma_wait3A_33 = arith.constant 0 : i32
      %dma_wait3A_34 = arith.constant 0 : i32
      %dma_wait3A_35 = tpu.memref_slice %arg9[%rem3A_29, %dma_wait3A_33, %dma_wait3A_34] : memref<2x500x64xf32, #tpu.memory_space<vmem>> -> memref<1x500x64xf32, #tpu.memory_space<vmem>>
      %dma_wait3A_36 = tpu.memref_squeeze %dma_wait3A_35 : memref<1x500x64xf32, #tpu.memory_space<vmem>> -> memref<500x64xf32, #tpu.memory_space<vmem>>
      %dma_wait3A_37 = arith.constant 0 : i32
      %dma_wait3A_38 = tpu.memref_slice %arg7[%dma_wait3A, %dma_wait3A_37] : memref<20x500xi32, #tpu.memory_space<vmem>> -> memref<1x500xi32, #tpu.memory_space<vmem>>
      %dma_wait3A_39 = tpu.memref_squeeze %dma_wait3A_38 : memref<1x500xi32, #tpu.memory_space<vmem>> -> memref<500xi32, #tpu.memory_space<vmem>>
      %dma_wait3A_40 = arith.constant 0 : i32
      %dma_wait3A_41 = arith.constant 0 : i32
      %dma_wait3A_42 = tpu.memref_slice %arg4[%dma_wait3A_40, %dma_wait3A_41] : memref<10000x64xf32, #tpu.memory_space<hbm>> -> memref<10000x64xf32, #tpu.memory_space<hbm>>
      tpu.wait_indirect_dma semaphore(%arg11 : memref<!tpu.dma_semaphore, #tpu.memory_space<semaphore_mem>>) src(%dma_wait3A_42 : memref<10000x64xf32, #tpu.memory_space<hbm>>) dst(%dma_wait3A_36 : memref<500x64xf32, #tpu.memory_space<vmem>>)
      "tpu.region"() ({
        %run_scoped3A = tpu.sem_alloc : memref<!tpu.dma_semaphore, #tpu.memory_space<semaphore_mem>>
        %dma_start3A_43 = arith.constant 0 : i32
        %dma_start3A_44 = arith.constant 0 : i32
        %dma_start3A_45 = tpu.memref_slice %arg9[%rem3A_29, %dma_start3A_43, %dma_start3A_44] : memref<2x500x64xf32, #tpu.memory_space<vmem>> -> memref<1x500x64xf32, #tpu.memory_space<vmem>>
        %dma_start3A_46 = tpu.memref_squeeze %dma_start3A_45 : memref<1x500x64xf32, #tpu.memory_space<vmem>> -> memref<500x64xf32, #tpu.memory_space<vmem>>
        %dma_start3A_47 = arith.constant 0 : i32
        %dma_start3A_48 = tpu.memref_slice %arg8[%scan3A_28, %dma_start3A_47] : memref<20x500xi32, #tpu.memory_space<vmem>> -> memref<1x500xi32, #tpu.memory_space<vmem>>
        %dma_start3A_49 = tpu.memref_squeeze %dma_start3A_48 : memref<1x500xi32, #tpu.memory_space<vmem>> -> memref<500xi32, #tpu.memory_space<vmem>>
        %dma_start3A_50 = arith.constant 0 : i32
        %dma_start3A_51 = arith.constant 0 : i32
        %dma_start3A_52 = tpu.memref_slice %arg10[%dma_start3A_50, %dma_start3A_51] : memref<10000x64xf32, #tpu.memory_space<vmem_shared>> -> memref<10000x64xf32, #tpu.memory_space<vmem_shared>>
        tpu.enqueue_indirect_dma source(%dma_start3A_46 : memref<500x64xf32, #tpu.memory_space<vmem>>) target(%dma_start3A_52 : memref<10000x64xf32, #tpu.memory_space<vmem_shared>>) offsets(%dma_start3A_49 : memref<500xi32, #tpu.memory_space<vmem>>) semaphore(%run_scoped3A : memref<!tpu.dma_semaphore, #tpu.memory_space<semaphore_mem>>) {add = true}
        %dma_wait3A_53 = arith.constant 0 : i32
        %dma_wait3A_54 = arith.constant 0 : i32
        %dma_wait3A_55 = tpu.memref_slice %arg9[%rem3A_29, %dma_wait3A_53, %dma_wait3A_54] : memref<2x500x64xf32, #tpu.memory_space<vmem>> -> memref<1x500x64xf32, #tpu.memory_space<vmem>>
        %dma_wait3A_56 = tpu.memref_squeeze %dma_wait3A_55 : memref<1x500x64xf32, #tpu.memory_space<vmem>> -> memref<500x64xf32, #tpu.memory_space<vmem>>
        %dma_wait3A_57 = arith.constant 0 : i32
        %dma_wait3A_58 = tpu.memref_slice %arg8[%scan3A_28, %dma_wait3A_57] : memref<20x500xi32, #tpu.memory_space<vmem>> -> memref<1x500xi32, #tpu.memory_space<vmem>>
        %dma_wait3A_59 = tpu.memref_squeeze %dma_wait3A_58 : memref<1x500xi32, #tpu.memory_space<vmem>> -> memref<500xi32, #tpu.memory_space<vmem>>
        %dma_wait3A_60 = arith.constant 0 : i32
        %dma_wait3A_61 = arith.constant 0 : i32
        %dma_wait3A_62 = tpu.memref_slice %arg10[%dma_wait3A_60, %dma_wait3A_61] : memref<10000x64xf32, #tpu.memory_space<vmem_shared>> -> memref<10000x64xf32, #tpu.memory_space<vmem_shared>>
        tpu.wait_indirect_dma semaphore(%run_scoped3A : memref<!tpu.dma_semaphore, #tpu.memory_space<semaphore_mem>>) src(%dma_wait3A_56 : memref<500x64xf32, #tpu.memory_space<vmem>>) dst(%dma_wait3A_62 : memref<10000x64xf32, #tpu.memory_space<vmem_shared>>)
        tpu.yield
      }) : () -> ()
    }
    %scan3A_22 = arith.constant 20 : i32
    %barrier3A_23 = arith.constant 0 : index
    tpu.barrier barrier_id(%barrier3A_23)
    %mul3A_24 = arith.constant 625 : i32
    %mul3A_25 = arith.muli %arg1, %mul3A_24 : i32
    %mul3A_26 = arith.constant 625 : i32
    %mul3A_27 = arith.muli %arg1, %mul3A_26 : i32
    "tpu.region"() ({
      %run_scoped3A = tpu.sem_alloc : memref<!tpu.dma_semaphore, #tpu.memory_space<semaphore_mem>>
      %dma_start3A_28 = arith.constant 0 : i32
      %dma_start3A_29 = tpu.memref_slice %arg6[%arg0, %mul3A_27, %dma_start3A_28] : memref<2x10000x64xf32, #tpu.memory_space<hbm>> -> memref<1x625x64xf32, #tpu.memory_space<hbm>>
      %dma_start3A_30 = tpu.memref_squeeze %dma_start3A_29 : memref<1x625x64xf32, #tpu.memory_space<hbm>> -> memref<625x64xf32, #tpu.memory_space<hbm>>
      %dma_start3A_31 = arith.constant 0 : i32
      %dma_start3A_32 = tpu.memref_slice %arg10[%mul3A_25, %dma_start3A_31] : memref<10000x64xf32, #tpu.memory_space<vmem_shared>> -> memref<625x64xf32, #tpu.memory_space<vmem_shared>>
      tpu.enqueue_dma source(%dma_start3A_32 : memref<625x64xf32, #tpu.memory_space<vmem_shared>>) target(%dma_start3A_30 : memref<625x64xf32, #tpu.memory_space<hbm>>) target_semaphore(%run_scoped3A : memref<!tpu.dma_semaphore, #tpu.memory_space<semaphore_mem>>)
      %dma_wait3A = arith.constant 0 : i32
      %dma_wait3A_33 = tpu.memref_slice %arg6[%arg0, %mul3A_27, %dma_wait3A] : memref<2x10000x64xf32, #tpu.memory_space<hbm>> -> memref<1x625x64xf32, #tpu.memory_space<hbm>>
      %dma_wait3A_34 = tpu.memref_squeeze %dma_wait3A_33 : memref<1x625x64xf32, #tpu.memory_space<hbm>> -> memref<625x64xf32, #tpu.memory_space<hbm>>
      %dma_wait3A_35 = arith.constant 0 : i32
      %dma_wait3A_36 = tpu.memref_slice %arg10[%mul3A_25, %dma_wait3A_35] : memref<10000x64xf32, #tpu.memory_space<vmem_shared>> -> memref<625x64xf32, #tpu.memory_space<vmem_shared>>
      tpu.wait_dma2 semaphore(%run_scoped3A : memref<!tpu.dma_semaphore, #tpu.memory_space<semaphore_mem>>) src(%dma_wait3A_36 : memref<625x64xf32, #tpu.memory_space<vmem_shared>>) dst(%dma_wait3A_34 : memref<625x64xf32, #tpu.memory_space<hbm>>)
      tpu.yield
    }) : () -> ()
    return
  }
}

#map = affine_map<(d0, d1) -> (0, 0)>
#map1 = affine_map<(d0, d1) -> (0, 0, 0)>
module attributes {stable_mosaic.version = 14 : i64} {
  func.func @deg_kernel(%arg0: i32, %arg1: i32, %arg2: memref<640x500xi32, #tpu.memory_space<hbm>>, %arg3: memref<500x16xf32, #tpu.memory_space<hbm>>, %arg4: memref<625x16xf32, #tpu.memory_space<hbm>>, %arg5: memref<2x10000x16xf32, #tpu.memory_space<hbm>>, %arg6: memref<20x500xi32, #tpu.memory_space<vmem>>, %arg7: memref<500x16xf32, #tpu.memory_space<vmem>>, %arg8: memref<10000x16xf32, #tpu.memory_space<vmem_shared>>) attributes {dimension_semantics = [#tpu.dimension_semantics<core_parallel>, #tpu.dimension_semantics<subcore_parallel>], iteration_bounds = array<i64: 2, 16>, scalar_prefetch = 0 : i64, scratch_operands = 3 : i64, tpu.core_type = #tpu.core_type<sc_vector_subcore>, window_params = [{transform_indices = #map}, {transform_indices = #map}, {transform_indices = #map}, {transform_indices = #map1}]} {
    %mul3A = arith.constant 16 : i32
    %mul3A_0 = arith.muli %arg0, %mul3A : i32
    %add3A = arith.addi %mul3A_0, %arg1 : i32
    %mul3A_1 = arith.constant 625 : i32
    %mul3A_2 = arith.muli %arg1, %mul3A_1 : i32
    "tpu.region"() ({
      %run_scoped3A = tpu.sem_alloc : memref<!tpu.dma_semaphore, #tpu.memory_space<semaphore_mem>>
      %dma_start3A = arith.constant 0 : i32
      %dma_start3A_15 = tpu.memref_slice %arg8[%mul3A_2, %dma_start3A] : memref<10000x16xf32, #tpu.memory_space<vmem_shared>> -> memref<625x16xf32, #tpu.memory_space<vmem_shared>>
      tpu.enqueue_dma source(%arg4 : memref<625x16xf32, #tpu.memory_space<hbm>>) target(%dma_start3A_15 : memref<625x16xf32, #tpu.memory_space<vmem_shared>>) target_semaphore(%run_scoped3A : memref<!tpu.dma_semaphore, #tpu.memory_space<semaphore_mem>>)
      %dma_wait3A = arith.constant 0 : i32
      %dma_wait3A_16 = tpu.memref_slice %arg8[%mul3A_2, %dma_wait3A] : memref<10000x16xf32, #tpu.memory_space<vmem_shared>> -> memref<625x16xf32, #tpu.memory_space<vmem_shared>>
      tpu.wait_dma2 semaphore(%run_scoped3A : memref<!tpu.dma_semaphore, #tpu.memory_space<semaphore_mem>>) src(%arg4 : memref<625x16xf32, #tpu.memory_space<hbm>>) dst(%dma_wait3A_16 : memref<625x16xf32, #tpu.memory_space<vmem_shared>>)
      tpu.yield
    }) : () -> ()
    "tpu.region"() ({
      %run_scoped3A = tpu.sem_alloc : memref<!tpu.dma_semaphore, #tpu.memory_space<semaphore_mem>>
      tpu.enqueue_dma source(%arg3 : memref<500x16xf32, #tpu.memory_space<hbm>>) target(%arg7 : memref<500x16xf32, #tpu.memory_space<vmem>>) target_semaphore(%run_scoped3A : memref<!tpu.dma_semaphore, #tpu.memory_space<semaphore_mem>>)
      tpu.wait_dma2 semaphore(%run_scoped3A : memref<!tpu.dma_semaphore, #tpu.memory_space<semaphore_mem>>) src(%arg3 : memref<500x16xf32, #tpu.memory_space<hbm>>) dst(%arg7 : memref<500x16xf32, #tpu.memory_space<vmem>>)
      tpu.yield
    }) : () -> ()
    %mul3A_3 = arith.constant 20 : i32
    %mul3A_4 = arith.muli %add3A, %mul3A_3 : i32
    "tpu.region"() ({
      %run_scoped3A = tpu.sem_alloc : memref<!tpu.dma_semaphore, #tpu.memory_space<semaphore_mem>>
      %dma_start3A = arith.constant 0 : i32
      %dma_start3A_15 = tpu.memref_slice %arg2[%mul3A_4, %dma_start3A] : memref<640x500xi32, #tpu.memory_space<hbm>> -> memref<20x500xi32, #tpu.memory_space<hbm>>
      %dma_start3A_16 = arith.constant 0 : i32
      %dma_start3A_17 = tpu.memref_slice %arg2[%mul3A_4, %dma_start3A_16] : memref<640x500xi32, #tpu.memory_space<hbm>> -> memref<20x500xi32, #tpu.memory_space<hbm>>
      tpu.enqueue_dma source(%dma_start3A_17 : memref<20x500xi32, #tpu.memory_space<hbm>>) target(%arg6 : memref<20x500xi32, #tpu.memory_space<vmem>>) target_semaphore(%run_scoped3A : memref<!tpu.dma_semaphore, #tpu.memory_space<semaphore_mem>>)
      %dma_wait3A = arith.constant 0 : i32
      %dma_wait3A_18 = tpu.memref_slice %arg2[%mul3A_4, %dma_wait3A] : memref<640x500xi32, #tpu.memory_space<hbm>> -> memref<20x500xi32, #tpu.memory_space<hbm>>
      %dma_wait3A_19 = arith.constant 0 : i32
      %dma_wait3A_20 = tpu.memref_slice %arg2[%mul3A_4, %dma_wait3A_19] : memref<640x500xi32, #tpu.memory_space<hbm>> -> memref<20x500xi32, #tpu.memory_space<hbm>>
      tpu.wait_dma2 semaphore(%run_scoped3A : memref<!tpu.dma_semaphore, #tpu.memory_space<semaphore_mem>>) src(%dma_wait3A_20 : memref<20x500xi32, #tpu.memory_space<hbm>>) dst(%arg6 : memref<20x500xi32, #tpu.memory_space<vmem>>)
      tpu.yield
    }) : () -> ()
    %barrier3A = arith.constant 0 : index
    tpu.barrier barrier_id(%barrier3A)
    %scan3A = arith.constant 0 : i32
    %scan3A_5 = arith.constant 0 : i32
    %scan3A_6 = arith.constant 20 : i32
    %scan3A_7 = arith.addi %scan3A_5, %scan3A_6 : i32
    %scan3A_8 = arith.constant 1 : i32
    scf.for %scan3A_15 = %scan3A_5 to %scan3A_7 step %scan3A_8  : i32 {
      "tpu.region"() ({
        %run_scoped3A = tpu.sem_alloc : memref<!tpu.dma_semaphore, #tpu.memory_space<semaphore_mem>>
        %dma_start3A = arith.constant 0 : i32
        %dma_start3A_16 = tpu.memref_slice %arg6[%scan3A_15, %dma_start3A] : memref<20x500xi32, #tpu.memory_space<vmem>> -> memref<1x500xi32, #tpu.memory_space<vmem>>
        %dma_start3A_17 = tpu.memref_squeeze %dma_start3A_16 : memref<1x500xi32, #tpu.memory_space<vmem>> -> memref<500xi32, #tpu.memory_space<vmem>>
        %dma_start3A_18 = arith.constant 0 : i32
        %dma_start3A_19 = arith.constant 0 : i32
        %dma_start3A_20 = tpu.memref_slice %arg8[%dma_start3A_18, %dma_start3A_19] : memref<10000x16xf32, #tpu.memory_space<vmem_shared>> -> memref<10000x16xf32, #tpu.memory_space<vmem_shared>>
        tpu.enqueue_indirect_dma source(%arg7 : memref<500x16xf32, #tpu.memory_space<vmem>>) target(%dma_start3A_20 : memref<10000x16xf32, #tpu.memory_space<vmem_shared>>) offsets(%dma_start3A_17 : memref<500xi32, #tpu.memory_space<vmem>>) semaphore(%run_scoped3A : memref<!tpu.dma_semaphore, #tpu.memory_space<semaphore_mem>>) {add = true}
        %dma_wait3A = arith.constant 0 : i32
        %dma_wait3A_21 = tpu.memref_slice %arg6[%scan3A_15, %dma_wait3A] : memref<20x500xi32, #tpu.memory_space<vmem>> -> memref<1x500xi32, #tpu.memory_space<vmem>>
        %dma_wait3A_22 = tpu.memref_squeeze %dma_wait3A_21 : memref<1x500xi32, #tpu.memory_space<vmem>> -> memref<500xi32, #tpu.memory_space<vmem>>
        %dma_wait3A_23 = arith.constant 0 : i32
        %dma_wait3A_24 = arith.constant 0 : i32
        %dma_wait3A_25 = tpu.memref_slice %arg8[%dma_wait3A_23, %dma_wait3A_24] : memref<10000x16xf32, #tpu.memory_space<vmem_shared>> -> memref<10000x16xf32, #tpu.memory_space<vmem_shared>>
        tpu.wait_indirect_dma semaphore(%run_scoped3A : memref<!tpu.dma_semaphore, #tpu.memory_space<semaphore_mem>>) src(%arg7 : memref<500x16xf32, #tpu.memory_space<vmem>>) dst(%dma_wait3A_25 : memref<10000x16xf32, #tpu.memory_space<vmem_shared>>)
        tpu.yield
      }) : () -> ()
    }
    %scan3A_9 = arith.constant 20 : i32
    %barrier3A_10 = arith.constant 0 : index
    tpu.barrier barrier_id(%barrier3A_10)
    %mul3A_11 = arith.constant 625 : i32
    %mul3A_12 = arith.muli %arg1, %mul3A_11 : i32
    %mul3A_13 = arith.constant 625 : i32
    %mul3A_14 = arith.muli %arg1, %mul3A_13 : i32
    "tpu.region"() ({
      %run_scoped3A = tpu.sem_alloc : memref<!tpu.dma_semaphore, #tpu.memory_space<semaphore_mem>>
      %dma_start3A = arith.constant 0 : i32
      %dma_start3A_15 = tpu.memref_slice %arg5[%arg0, %mul3A_14, %dma_start3A] : memref<2x10000x16xf32, #tpu.memory_space<hbm>> -> memref<1x625x16xf32, #tpu.memory_space<hbm>>
      %dma_start3A_16 = tpu.memref_squeeze %dma_start3A_15 : memref<1x625x16xf32, #tpu.memory_space<hbm>> -> memref<625x16xf32, #tpu.memory_space<hbm>>
      %dma_start3A_17 = arith.constant 0 : i32
      %dma_start3A_18 = tpu.memref_slice %arg8[%mul3A_12, %dma_start3A_17] : memref<10000x16xf32, #tpu.memory_space<vmem_shared>> -> memref<625x16xf32, #tpu.memory_space<vmem_shared>>
      tpu.enqueue_dma source(%dma_start3A_18 : memref<625x16xf32, #tpu.memory_space<vmem_shared>>) target(%dma_start3A_16 : memref<625x16xf32, #tpu.memory_space<hbm>>) target_semaphore(%run_scoped3A : memref<!tpu.dma_semaphore, #tpu.memory_space<semaphore_mem>>)
      %dma_wait3A = arith.constant 0 : i32
      %dma_wait3A_19 = tpu.memref_slice %arg5[%arg0, %mul3A_14, %dma_wait3A] : memref<2x10000x16xf32, #tpu.memory_space<hbm>> -> memref<1x625x16xf32, #tpu.memory_space<hbm>>
      %dma_wait3A_20 = tpu.memref_squeeze %dma_wait3A_19 : memref<1x625x16xf32, #tpu.memory_space<hbm>> -> memref<625x16xf32, #tpu.memory_space<hbm>>
      %dma_wait3A_21 = arith.constant 0 : i32
      %dma_wait3A_22 = tpu.memref_slice %arg8[%mul3A_12, %dma_wait3A_21] : memref<10000x16xf32, #tpu.memory_space<vmem_shared>> -> memref<625x16xf32, #tpu.memory_space<vmem_shared>>
      tpu.wait_dma2 semaphore(%run_scoped3A : memref<!tpu.dma_semaphore, #tpu.memory_space<semaphore_mem>>) src(%dma_wait3A_22 : memref<625x16xf32, #tpu.memory_space<vmem_shared>>) dst(%dma_wait3A_20 : memref<625x16xf32, #tpu.memory_space<hbm>>)
      tpu.yield
    }) : () -> ()
    return
  }
}

#map = affine_map<(d0, d1) -> (0, 0)>
#map1 = affine_map<(d0, d1) -> (0, 0, 0)>
module attributes {stable_mosaic.version = 14 : i64} {
  func.func @agg_kernel(%arg0: i32, %arg1: i32, %arg2: memref<640x500xi32, #tpu.memory_space<hbm>>, %arg3: memref<640x500xi32, #tpu.memory_space<hbm>>, %arg4: memref<10000x64xf32, #tpu.memory_space<hbm>>, %arg5: memref<625x64xf32, #tpu.memory_space<hbm>>, %arg6: memref<2x10000x64xf32, #tpu.memory_space<hbm>>, %arg7: memref<20x500xi32, #tpu.memory_space<vmem>>, %arg8: memref<20x500xi32, #tpu.memory_space<vmem>>, %arg9: memref<2x500x64xf32, #tpu.memory_space<vmem>>, %arg10: memref<10000x64xf32, #tpu.memory_space<vmem_shared>>, %arg11: memref<!tpu.dma_semaphore, #tpu.memory_space<semaphore_mem>>) attributes {dimension_semantics = [#tpu.dimension_semantics<core_parallel>, #tpu.dimension_semantics<subcore_parallel>], iteration_bounds = array<i64: 2, 16>, scalar_prefetch = 0 : i64, scratch_operands = 5 : i64, tpu.core_type = #tpu.core_type<sc_vector_subcore>, window_params = [{transform_indices = #map}, {transform_indices = #map}, {transform_indices = #map}, {transform_indices = #map}, {transform_indices = #map1}]} {
    %mul3A = arith.constant 16 : i32
    %mul3A_0 = arith.muli %arg0, %mul3A : i32
    %add3A = arith.addi %mul3A_0, %arg1 : i32
    %mul3A_1 = arith.constant 625 : i32
    %mul3A_2 = arith.muli %arg1, %mul3A_1 : i32
    "tpu.region"() ({
      %run_scoped3A = tpu.sem_alloc : memref<!tpu.dma_semaphore, #tpu.memory_space<semaphore_mem>>
      %dma_start3A_28 = arith.constant 0 : i32
      %dma_start3A_29 = tpu.memref_slice %arg10[%mul3A_2, %dma_start3A_28] : memref<10000x64xf32, #tpu.memory_space<vmem_shared>> -> memref<625x64xf32, #tpu.memory_space<vmem_shared>>
      tpu.enqueue_dma source(%arg5 : memref<625x64xf32, #tpu.memory_space<hbm>>) target(%dma_start3A_29 : memref<625x64xf32, #tpu.memory_space<vmem_shared>>) target_semaphore(%run_scoped3A : memref<!tpu.dma_semaphore, #tpu.memory_space<semaphore_mem>>)
      %dma_wait3A = arith.constant 0 : i32
      %dma_wait3A_30 = tpu.memref_slice %arg10[%mul3A_2, %dma_wait3A] : memref<10000x64xf32, #tpu.memory_space<vmem_shared>> -> memref<625x64xf32, #tpu.memory_space<vmem_shared>>
      tpu.wait_dma2 semaphore(%run_scoped3A : memref<!tpu.dma_semaphore, #tpu.memory_space<semaphore_mem>>) src(%arg5 : memref<625x64xf32, #tpu.memory_space<hbm>>) dst(%dma_wait3A_30 : memref<625x64xf32, #tpu.memory_space<vmem_shared>>)
      tpu.yield
    }) : () -> ()
    %mul3A_3 = arith.constant 20 : i32
    %mul3A_4 = arith.muli %add3A, %mul3A_3 : i32
    "tpu.region"() ({
      %run_scoped3A = tpu.sem_alloc : memref<!tpu.dma_semaphore, #tpu.memory_space<semaphore_mem>>
      %dma_start3A_28 = arith.constant 0 : i32
      %dma_start3A_29 = tpu.memref_slice %arg2[%mul3A_4, %dma_start3A_28] : memref<640x500xi32, #tpu.memory_space<hbm>> -> memref<20x500xi32, #tpu.memory_space<hbm>>
      %dma_start3A_30 = arith.constant 0 : i32
      %dma_start3A_31 = tpu.memref_slice %arg2[%mul3A_4, %dma_start3A_30] : memref<640x500xi32, #tpu.memory_space<hbm>> -> memref<20x500xi32, #tpu.memory_space<hbm>>
      tpu.enqueue_dma source(%dma_start3A_31 : memref<20x500xi32, #tpu.memory_space<hbm>>) target(%arg7 : memref<20x500xi32, #tpu.memory_space<vmem>>) target_semaphore(%run_scoped3A : memref<!tpu.dma_semaphore, #tpu.memory_space<semaphore_mem>>)
      %dma_wait3A = arith.constant 0 : i32
      %dma_wait3A_32 = tpu.memref_slice %arg2[%mul3A_4, %dma_wait3A] : memref<640x500xi32, #tpu.memory_space<hbm>> -> memref<20x500xi32, #tpu.memory_space<hbm>>
      %dma_wait3A_33 = arith.constant 0 : i32
      %dma_wait3A_34 = tpu.memref_slice %arg2[%mul3A_4, %dma_wait3A_33] : memref<640x500xi32, #tpu.memory_space<hbm>> -> memref<20x500xi32, #tpu.memory_space<hbm>>
      tpu.wait_dma2 semaphore(%run_scoped3A : memref<!tpu.dma_semaphore, #tpu.memory_space<semaphore_mem>>) src(%dma_wait3A_34 : memref<20x500xi32, #tpu.memory_space<hbm>>) dst(%arg7 : memref<20x500xi32, #tpu.memory_space<vmem>>)
      tpu.yield
    }) : () -> ()
    %mul3A_5 = arith.constant 20 : i32
    %mul3A_6 = arith.muli %add3A, %mul3A_5 : i32
    "tpu.region"() ({
      %run_scoped3A = tpu.sem_alloc : memref<!tpu.dma_semaphore, #tpu.memory_space<semaphore_mem>>
      %dma_start3A_28 = arith.constant 0 : i32
      %dma_start3A_29 = tpu.memref_slice %arg3[%mul3A_6, %dma_start3A_28] : memref<640x500xi32, #tpu.memory_space<hbm>> -> memref<20x500xi32, #tpu.memory_space<hbm>>
      %dma_start3A_30 = arith.constant 0 : i32
      %dma_start3A_31 = tpu.memref_slice %arg3[%mul3A_6, %dma_start3A_30] : memref<640x500xi32, #tpu.memory_space<hbm>> -> memref<20x500xi32, #tpu.memory_space<hbm>>
      tpu.enqueue_dma source(%dma_start3A_31 : memref<20x500xi32, #tpu.memory_space<hbm>>) target(%arg8 : memref<20x500xi32, #tpu.memory_space<vmem>>) target_semaphore(%run_scoped3A : memref<!tpu.dma_semaphore, #tpu.memory_space<semaphore_mem>>)
      %dma_wait3A = arith.constant 0 : i32
      %dma_wait3A_32 = tpu.memref_slice %arg3[%mul3A_6, %dma_wait3A] : memref<640x500xi32, #tpu.memory_space<hbm>> -> memref<20x500xi32, #tpu.memory_space<hbm>>
      %dma_wait3A_33 = arith.constant 0 : i32
      %dma_wait3A_34 = tpu.memref_slice %arg3[%mul3A_6, %dma_wait3A_33] : memref<640x500xi32, #tpu.memory_space<hbm>> -> memref<20x500xi32, #tpu.memory_space<hbm>>
      tpu.wait_dma2 semaphore(%run_scoped3A : memref<!tpu.dma_semaphore, #tpu.memory_space<semaphore_mem>>) src(%dma_wait3A_34 : memref<20x500xi32, #tpu.memory_space<hbm>>) dst(%arg8 : memref<20x500xi32, #tpu.memory_space<vmem>>)
      tpu.yield
    }) : () -> ()
    %barrier3A = arith.constant 0 : index
    tpu.barrier barrier_id(%barrier3A)
    %dma_start3A = arith.constant 0 : i32
    %dma_start3A_7 = arith.constant 0 : i32
    %dma_start3A_8 = arith.constant 0 : i32
    %dma_start3A_9 = arith.constant 0 : i32
    %dma_start3A_10 = tpu.memref_slice %arg9[%dma_start3A_7, %dma_start3A_8, %dma_start3A_9] : memref<2x500x64xf32, #tpu.memory_space<vmem>> -> memref<1x500x64xf32, #tpu.memory_space<vmem>>
    %dma_start3A_11 = tpu.memref_squeeze %dma_start3A_10 : memref<1x500x64xf32, #tpu.memory_space<vmem>> -> memref<500x64xf32, #tpu.memory_space<vmem>>
    %dma_start3A_12 = arith.constant 0 : i32
    %dma_start3A_13 = tpu.memref_slice %arg7[%dma_start3A, %dma_start3A_12] : memref<20x500xi32, #tpu.memory_space<vmem>> -> memref<1x500xi32, #tpu.memory_space<vmem>>
    %dma_start3A_14 = tpu.memref_squeeze %dma_start3A_13 : memref<1x500xi32, #tpu.memory_space<vmem>> -> memref<500xi32, #tpu.memory_space<vmem>>
    %dma_start3A_15 = arith.constant 0 : i32
    %dma_start3A_16 = arith.constant 0 : i32
    %dma_start3A_17 = tpu.memref_slice %arg4[%dma_start3A_15, %dma_start3A_16] : memref<10000x64xf32, #tpu.memory_space<hbm>> -> memref<10000x64xf32, #tpu.memory_space<hbm>>
    tpu.enqueue_indirect_dma source(%dma_start3A_17 : memref<10000x64xf32, #tpu.memory_space<hbm>>) target(%dma_start3A_11 : memref<500x64xf32, #tpu.memory_space<vmem>>) offsets(%dma_start3A_14 : memref<500xi32, #tpu.memory_space<vmem>>) semaphore(%arg11 : memref<!tpu.dma_semaphore, #tpu.memory_space<semaphore_mem>>)
    %scan3A = arith.constant 0 : i32
    %scan3A_18 = arith.constant 0 : i32
    %scan3A_19 = arith.constant 20 : i32
    %scan3A_20 = arith.addi %scan3A_18, %scan3A_19 : i32
    %scan3A_21 = arith.constant 1 : i32
    scf.for %scan3A_28 = %scan3A_18 to %scan3A_20 step %scan3A_21  : i32 {
      %rem3A = arith.constant 2 : i32
      %rem3A_29 = arith.remsi %scan3A_28, %rem3A : i32
      %sub3A = arith.constant 1 : i32
      %sub3A_30 = arith.subi %sub3A, %rem3A_29 : i32
      %lt3A = arith.constant 19 : i32
      %lt3A_31 = arith.cmpi slt, %scan3A_28, %lt3A : i32
      %convert_element_type3A = arith.extui %lt3A_31 : i1 to i32
      %cond3A = arith.constant 0 : i32
      %cond3A_32 = arith.cmpi ne, %convert_element_type3A, %cond3A : i32
      scf.if %cond3A_32 {
        %add3A_43 = arith.constant 1 : i32
        %add3A_44 = arith.addi %scan3A_28, %add3A_43 : i32
        %dma_start3A_45 = arith.constant 0 : i32
        %dma_start3A_46 = arith.constant 0 : i32
        %dma_start3A_47 = tpu.memref_slice %arg9[%sub3A_30, %dma_start3A_45, %dma_start3A_46] : memref<2x500x64xf32, #tpu.memory_space<vmem>> -> memref<1x500x64xf32, #tpu.memory_space<vmem>>
        %dma_start3A_48 = tpu.memref_squeeze %dma_start3A_47 : memref<1x500x64xf32, #tpu.memory_space<vmem>> -> memref<500x64xf32, #tpu.memory_space<vmem>>
        %dma_start3A_49 = arith.constant 0 : i32
        %dma_start3A_50 = tpu.memref_slice %arg7[%add3A_44, %dma_start3A_49] : memref<20x500xi32, #tpu.memory_space<vmem>> -> memref<1x500xi32, #tpu.memory_space<vmem>>
        %dma_start3A_51 = tpu.memref_squeeze %dma_start3A_50 : memref<1x500xi32, #tpu.memory_space<vmem>> -> memref<500xi32, #tpu.memory_space<vmem>>
        %dma_start3A_52 = arith.constant 0 : i32
        %dma_start3A_53 = arith.constant 0 : i32
        %dma_start3A_54 = tpu.memref_slice %arg4[%dma_start3A_52, %dma_start3A_53] : memref<10000x64xf32, #tpu.memory_space<hbm>> -> memref<10000x64xf32, #tpu.memory_space<hbm>>
        tpu.enqueue_indirect_dma source(%dma_start3A_54 : memref<10000x64xf32, #tpu.memory_space<hbm>>) target(%dma_start3A_48 : memref<500x64xf32, #tpu.memory_space<vmem>>) offsets(%dma_start3A_51 : memref<500xi32, #tpu.memory_space<vmem>>) semaphore(%arg11 : memref<!tpu.dma_semaphore, #tpu.memory_space<semaphore_mem>>)
      } else {
      }
      %dma_wait3A = arith.constant 0 : i32
      %dma_wait3A_33 = arith.constant 0 : i32
      %dma_wait3A_34 = arith.constant 0 : i32
      %dma_wait3A_35 = tpu.memref_slice %arg9[%rem3A_29, %dma_wait3A_33, %dma_wait3A_34] : memref<2x500x64xf32, #tpu.memory_space<vmem>> -> memref<1x500x64xf32, #tpu.memory_space<vmem>>
      %dma_wait3A_36 = tpu.memref_squeeze %dma_wait3A_35 : memref<1x500x64xf32, #tpu.memory_space<vmem>> -> memref<500x64xf32, #tpu.memory_space<vmem>>
      %dma_wait3A_37 = arith.constant 0 : i32
      %dma_wait3A_38 = tpu.memref_slice %arg7[%dma_wait3A, %dma_wait3A_37] : memref<20x500xi32, #tpu.memory_space<vmem>> -> memref<1x500xi32, #tpu.memory_space<vmem>>
      %dma_wait3A_39 = tpu.memref_squeeze %dma_wait3A_38 : memref<1x500xi32, #tpu.memory_space<vmem>> -> memref<500xi32, #tpu.memory_space<vmem>>
      %dma_wait3A_40 = arith.constant 0 : i32
      %dma_wait3A_41 = arith.constant 0 : i32
      %dma_wait3A_42 = tpu.memref_slice %arg4[%dma_wait3A_40, %dma_wait3A_41] : memref<10000x64xf32, #tpu.memory_space<hbm>> -> memref<10000x64xf32, #tpu.memory_space<hbm>>
      tpu.wait_indirect_dma semaphore(%arg11 : memref<!tpu.dma_semaphore, #tpu.memory_space<semaphore_mem>>) src(%dma_wait3A_42 : memref<10000x64xf32, #tpu.memory_space<hbm>>) dst(%dma_wait3A_36 : memref<500x64xf32, #tpu.memory_space<vmem>>)
      "tpu.region"() ({
        %run_scoped3A = tpu.sem_alloc : memref<!tpu.dma_semaphore, #tpu.memory_space<semaphore_mem>>
        %dma_start3A_43 = arith.constant 0 : i32
        %dma_start3A_44 = arith.constant 0 : i32
        %dma_start3A_45 = tpu.memref_slice %arg9[%rem3A_29, %dma_start3A_43, %dma_start3A_44] : memref<2x500x64xf32, #tpu.memory_space<vmem>> -> memref<1x500x64xf32, #tpu.memory_space<vmem>>
        %dma_start3A_46 = tpu.memref_squeeze %dma_start3A_45 : memref<1x500x64xf32, #tpu.memory_space<vmem>> -> memref<500x64xf32, #tpu.memory_space<vmem>>
        %dma_start3A_47 = arith.constant 0 : i32
        %dma_start3A_48 = tpu.memref_slice %arg8[%scan3A_28, %dma_start3A_47] : memref<20x500xi32, #tpu.memory_space<vmem>> -> memref<1x500xi32, #tpu.memory_space<vmem>>
        %dma_start3A_49 = tpu.memref_squeeze %dma_start3A_48 : memref<1x500xi32, #tpu.memory_space<vmem>> -> memref<500xi32, #tpu.memory_space<vmem>>
        %dma_start3A_50 = arith.constant 0 : i32
        %dma_start3A_51 = arith.constant 0 : i32
        %dma_start3A_52 = tpu.memref_slice %arg10[%dma_start3A_50, %dma_start3A_51] : memref<10000x64xf32, #tpu.memory_space<vmem_shared>> -> memref<10000x64xf32, #tpu.memory_space<vmem_shared>>
        tpu.enqueue_indirect_dma source(%dma_start3A_46 : memref<500x64xf32, #tpu.memory_space<vmem>>) target(%dma_start3A_52 : memref<10000x64xf32, #tpu.memory_space<vmem_shared>>) offsets(%dma_start3A_49 : memref<500xi32, #tpu.memory_space<vmem>>) semaphore(%run_scoped3A : memref<!tpu.dma_semaphore, #tpu.memory_space<semaphore_mem>>) {add = true}
        %dma_wait3A_53 = arith.constant 0 : i32
        %dma_wait3A_54 = arith.constant 0 : i32
        %dma_wait3A_55 = tpu.memref_slice %arg9[%rem3A_29, %dma_wait3A_53, %dma_wait3A_54] : memref<2x500x64xf32, #tpu.memory_space<vmem>> -> memref<1x500x64xf32, #tpu.memory_space<vmem>>
        %dma_wait3A_56 = tpu.memref_squeeze %dma_wait3A_55 : memref<1x500x64xf32, #tpu.memory_space<vmem>> -> memref<500x64xf32, #tpu.memory_space<vmem>>
        %dma_wait3A_57 = arith.constant 0 : i32
        %dma_wait3A_58 = tpu.memref_slice %arg8[%scan3A_28, %dma_wait3A_57] : memref<20x500xi32, #tpu.memory_space<vmem>> -> memref<1x500xi32, #tpu.memory_space<vmem>>
        %dma_wait3A_59 = tpu.memref_squeeze %dma_wait3A_58 : memref<1x500xi32, #tpu.memory_space<vmem>> -> memref<500xi32, #tpu.memory_space<vmem>>
        %dma_wait3A_60 = arith.constant 0 : i32
        %dma_wait3A_61 = arith.constant 0 : i32
        %dma_wait3A_62 = tpu.memref_slice %arg10[%dma_wait3A_60, %dma_wait3A_61] : memref<10000x64xf32, #tpu.memory_space<vmem_shared>> -> memref<10000x64xf32, #tpu.memory_space<vmem_shared>>
        tpu.wait_indirect_dma semaphore(%run_scoped3A : memref<!tpu.dma_semaphore, #tpu.memory_space<semaphore_mem>>) src(%dma_wait3A_56 : memref<500x64xf32, #tpu.memory_space<vmem>>) dst(%dma_wait3A_62 : memref<10000x64xf32, #tpu.memory_space<vmem_shared>>)
        tpu.yield
      }) : () -> ()
    }
    %scan3A_22 = arith.constant 20 : i32
    %barrier3A_23 = arith.constant 0 : index
    tpu.barrier barrier_id(%barrier3A_23)
    %mul3A_24 = arith.constant 625 : i32
    %mul3A_25 = arith.muli %arg1, %mul3A_24 : i32
    %mul3A_26 = arith.constant 625 : i32
    %mul3A_27 = arith.muli %arg1, %mul3A_26 : i32
    "tpu.region"() ({
      %run_scoped3A = tpu.sem_alloc : memref<!tpu.dma_semaphore, #tpu.memory_space<semaphore_mem>>
      %dma_start3A_28 = arith.constant 0 : i32
      %dma_start3A_29 = tpu.memref_slice %arg6[%arg0, %mul3A_27, %dma_start3A_28] : memref<2x10000x64xf32, #tpu.memory_space<hbm>> -> memref<1x625x64xf32, #tpu.memory_space<hbm>>
      %dma_start3A_30 = tpu.memref_squeeze %dma_start3A_29 : memref<1x625x64xf32, #tpu.memory_space<hbm>> -> memref<625x64xf32, #tpu.memory_space<hbm>>
      %dma_start3A_31 = arith.constant 0 : i32
      %dma_start3A_32 = tpu.memref_slice %arg10[%mul3A_25, %dma_start3A_31] : memref<10000x64xf32, #tpu.memory_space<vmem_shared>> -> memref<625x64xf32, #tpu.memory_space<vmem_shared>>
      tpu.enqueue_dma source(%dma_start3A_32 : memref<625x64xf32, #tpu.memory_space<vmem_shared>>) target(%dma_start3A_30 : memref<625x64xf32, #tpu.memory_space<hbm>>) target_semaphore(%run_scoped3A : memref<!tpu.dma_semaphore, #tpu.memory_space<semaphore_mem>>)
      %dma_wait3A = arith.constant 0 : i32
      %dma_wait3A_33 = tpu.memref_slice %arg6[%arg0, %mul3A_27, %dma_wait3A] : memref<2x10000x64xf32, #tpu.memory_space<hbm>> -> memref<1x625x64xf32, #tpu.memory_space<hbm>>
      %dma_wait3A_34 = tpu.memref_squeeze %dma_wait3A_33 : memref<1x625x64xf32, #tpu.memory_space<hbm>> -> memref<625x64xf32, #tpu.memory_space<hbm>>
      %dma_wait3A_35 = arith.constant 0 : i32
      %dma_wait3A_36 = tpu.memref_slice %arg10[%mul3A_25, %dma_wait3A_35] : memref<10000x64xf32, #tpu.memory_space<vmem_shared>> -> memref<625x64xf32, #tpu.memory_space<vmem_shared>>
      tpu.wait_dma2 semaphore(%run_scoped3A : memref<!tpu.dma_semaphore, #tpu.memory_space<semaphore_mem>>) src(%dma_wait3A_36 : memref<625x64xf32, #tpu.memory_space<vmem_shared>>) dst(%dma_wait3A_34 : memref<625x64xf32, #tpu.memory_space<hbm>>)
      tpu.yield
    }) : () -> ()
    return
  }
}

#map = affine_map<(d0, d1) -> (0, 0)>
#map1 = affine_map<(d0, d1) -> (0, 0, 0)>
module attributes {stable_mosaic.version = 14 : i64} {
  func.func @agg_kernel(%arg0: i32, %arg1: i32, %arg2: memref<640x500xi32, #tpu.memory_space<hbm>>, %arg3: memref<640x500xi32, #tpu.memory_space<hbm>>, %arg4: memref<10000x64xf32, #tpu.memory_space<hbm>>, %arg5: memref<625x64xf32, #tpu.memory_space<hbm>>, %arg6: memref<2x10000x64xf32, #tpu.memory_space<hbm>>, %arg7: memref<20x500xi32, #tpu.memory_space<vmem>>, %arg8: memref<20x500xi32, #tpu.memory_space<vmem>>, %arg9: memref<2x500x64xf32, #tpu.memory_space<vmem>>, %arg10: memref<10000x64xf32, #tpu.memory_space<vmem_shared>>, %arg11: memref<!tpu.dma_semaphore, #tpu.memory_space<semaphore_mem>>) attributes {dimension_semantics = [#tpu.dimension_semantics<core_parallel>, #tpu.dimension_semantics<subcore_parallel>], iteration_bounds = array<i64: 2, 16>, scalar_prefetch = 0 : i64, scratch_operands = 5 : i64, tpu.core_type = #tpu.core_type<sc_vector_subcore>, window_params = [{transform_indices = #map}, {transform_indices = #map}, {transform_indices = #map}, {transform_indices = #map}, {transform_indices = #map1}]} {
    %mul3A = arith.constant 16 : i32
    %mul3A_0 = arith.muli %arg0, %mul3A : i32
    %add3A = arith.addi %mul3A_0, %arg1 : i32
    %mul3A_1 = arith.constant 625 : i32
    %mul3A_2 = arith.muli %arg1, %mul3A_1 : i32
    "tpu.region"() ({
      %run_scoped3A = tpu.sem_alloc : memref<!tpu.dma_semaphore, #tpu.memory_space<semaphore_mem>>
      %dma_start3A_28 = arith.constant 0 : i32
      %dma_start3A_29 = tpu.memref_slice %arg10[%mul3A_2, %dma_start3A_28] : memref<10000x64xf32, #tpu.memory_space<vmem_shared>> -> memref<625x64xf32, #tpu.memory_space<vmem_shared>>
      tpu.enqueue_dma source(%arg5 : memref<625x64xf32, #tpu.memory_space<hbm>>) target(%dma_start3A_29 : memref<625x64xf32, #tpu.memory_space<vmem_shared>>) target_semaphore(%run_scoped3A : memref<!tpu.dma_semaphore, #tpu.memory_space<semaphore_mem>>)
      %dma_wait3A = arith.constant 0 : i32
      %dma_wait3A_30 = tpu.memref_slice %arg10[%mul3A_2, %dma_wait3A] : memref<10000x64xf32, #tpu.memory_space<vmem_shared>> -> memref<625x64xf32, #tpu.memory_space<vmem_shared>>
      tpu.wait_dma2 semaphore(%run_scoped3A : memref<!tpu.dma_semaphore, #tpu.memory_space<semaphore_mem>>) src(%arg5 : memref<625x64xf32, #tpu.memory_space<hbm>>) dst(%dma_wait3A_30 : memref<625x64xf32, #tpu.memory_space<vmem_shared>>)
      tpu.yield
    }) : () -> ()
    %mul3A_3 = arith.constant 20 : i32
    %mul3A_4 = arith.muli %add3A, %mul3A_3 : i32
    "tpu.region"() ({
      %run_scoped3A = tpu.sem_alloc : memref<!tpu.dma_semaphore, #tpu.memory_space<semaphore_mem>>
      %dma_start3A_28 = arith.constant 0 : i32
      %dma_start3A_29 = tpu.memref_slice %arg2[%mul3A_4, %dma_start3A_28] : memref<640x500xi32, #tpu.memory_space<hbm>> -> memref<20x500xi32, #tpu.memory_space<hbm>>
      %dma_start3A_30 = arith.constant 0 : i32
      %dma_start3A_31 = tpu.memref_slice %arg2[%mul3A_4, %dma_start3A_30] : memref<640x500xi32, #tpu.memory_space<hbm>> -> memref<20x500xi32, #tpu.memory_space<hbm>>
      tpu.enqueue_dma source(%dma_start3A_31 : memref<20x500xi32, #tpu.memory_space<hbm>>) target(%arg7 : memref<20x500xi32, #tpu.memory_space<vmem>>) target_semaphore(%run_scoped3A : memref<!tpu.dma_semaphore, #tpu.memory_space<semaphore_mem>>)
      %dma_wait3A = arith.constant 0 : i32
      %dma_wait3A_32 = tpu.memref_slice %arg2[%mul3A_4, %dma_wait3A] : memref<640x500xi32, #tpu.memory_space<hbm>> -> memref<20x500xi32, #tpu.memory_space<hbm>>
      %dma_wait3A_33 = arith.constant 0 : i32
      %dma_wait3A_34 = tpu.memref_slice %arg2[%mul3A_4, %dma_wait3A_33] : memref<640x500xi32, #tpu.memory_space<hbm>> -> memref<20x500xi32, #tpu.memory_space<hbm>>
      tpu.wait_dma2 semaphore(%run_scoped3A : memref<!tpu.dma_semaphore, #tpu.memory_space<semaphore_mem>>) src(%dma_wait3A_34 : memref<20x500xi32, #tpu.memory_space<hbm>>) dst(%arg7 : memref<20x500xi32, #tpu.memory_space<vmem>>)
      tpu.yield
    }) : () -> ()
    %mul3A_5 = arith.constant 20 : i32
    %mul3A_6 = arith.muli %add3A, %mul3A_5 : i32
    "tpu.region"() ({
      %run_scoped3A = tpu.sem_alloc : memref<!tpu.dma_semaphore, #tpu.memory_space<semaphore_mem>>
      %dma_start3A_28 = arith.constant 0 : i32
      %dma_start3A_29 = tpu.memref_slice %arg3[%mul3A_6, %dma_start3A_28] : memref<640x500xi32, #tpu.memory_space<hbm>> -> memref<20x500xi32, #tpu.memory_space<hbm>>
      %dma_start3A_30 = arith.constant 0 : i32
      %dma_start3A_31 = tpu.memref_slice %arg3[%mul3A_6, %dma_start3A_30] : memref<640x500xi32, #tpu.memory_space<hbm>> -> memref<20x500xi32, #tpu.memory_space<hbm>>
      tpu.enqueue_dma source(%dma_start3A_31 : memref<20x500xi32, #tpu.memory_space<hbm>>) target(%arg8 : memref<20x500xi32, #tpu.memory_space<vmem>>) target_semaphore(%run_scoped3A : memref<!tpu.dma_semaphore, #tpu.memory_space<semaphore_mem>>)
      %dma_wait3A = arith.constant 0 : i32
      %dma_wait3A_32 = tpu.memref_slice %arg3[%mul3A_6, %dma_wait3A] : memref<640x500xi32, #tpu.memory_space<hbm>> -> memref<20x500xi32, #tpu.memory_space<hbm>>
      %dma_wait3A_33 = arith.constant 0 : i32
      %dma_wait3A_34 = tpu.memref_slice %arg3[%mul3A_6, %dma_wait3A_33] : memref<640x500xi32, #tpu.memory_space<hbm>> -> memref<20x500xi32, #tpu.memory_space<hbm>>
      tpu.wait_dma2 semaphore(%run_scoped3A : memref<!tpu.dma_semaphore, #tpu.memory_space<semaphore_mem>>) src(%dma_wait3A_34 : memref<20x500xi32, #tpu.memory_space<hbm>>) dst(%arg8 : memref<20x500xi32, #tpu.memory_space<vmem>>)
      tpu.yield
    }) : () -> ()
    %barrier3A = arith.constant 0 : index
    tpu.barrier barrier_id(%barrier3A)
    %dma_start3A = arith.constant 0 : i32
    %dma_start3A_7 = arith.constant 0 : i32
    %dma_start3A_8 = arith.constant 0 : i32
    %dma_start3A_9 = arith.constant 0 : i32
    %dma_start3A_10 = tpu.memref_slice %arg9[%dma_start3A_7, %dma_start3A_8, %dma_start3A_9] : memref<2x500x64xf32, #tpu.memory_space<vmem>> -> memref<1x500x64xf32, #tpu.memory_space<vmem>>
    %dma_start3A_11 = tpu.memref_squeeze %dma_start3A_10 : memref<1x500x64xf32, #tpu.memory_space<vmem>> -> memref<500x64xf32, #tpu.memory_space<vmem>>
    %dma_start3A_12 = arith.constant 0 : i32
    %dma_start3A_13 = tpu.memref_slice %arg7[%dma_start3A, %dma_start3A_12] : memref<20x500xi32, #tpu.memory_space<vmem>> -> memref<1x500xi32, #tpu.memory_space<vmem>>
    %dma_start3A_14 = tpu.memref_squeeze %dma_start3A_13 : memref<1x500xi32, #tpu.memory_space<vmem>> -> memref<500xi32, #tpu.memory_space<vmem>>
    %dma_start3A_15 = arith.constant 0 : i32
    %dma_start3A_16 = arith.constant 0 : i32
    %dma_start3A_17 = tpu.memref_slice %arg4[%dma_start3A_15, %dma_start3A_16] : memref<10000x64xf32, #tpu.memory_space<hbm>> -> memref<10000x64xf32, #tpu.memory_space<hbm>>
    tpu.enqueue_indirect_dma source(%dma_start3A_17 : memref<10000x64xf32, #tpu.memory_space<hbm>>) target(%dma_start3A_11 : memref<500x64xf32, #tpu.memory_space<vmem>>) offsets(%dma_start3A_14 : memref<500xi32, #tpu.memory_space<vmem>>) semaphore(%arg11 : memref<!tpu.dma_semaphore, #tpu.memory_space<semaphore_mem>>)
    %scan3A = arith.constant 0 : i32
    %scan3A_18 = arith.constant 0 : i32
    %scan3A_19 = arith.constant 20 : i32
    %scan3A_20 = arith.addi %scan3A_18, %scan3A_19 : i32
    %scan3A_21 = arith.constant 1 : i32
    scf.for %scan3A_28 = %scan3A_18 to %scan3A_20 step %scan3A_21  : i32 {
      %rem3A = arith.constant 2 : i32
      %rem3A_29 = arith.remsi %scan3A_28, %rem3A : i32
      %sub3A = arith.constant 1 : i32
      %sub3A_30 = arith.subi %sub3A, %rem3A_29 : i32
      %lt3A = arith.constant 19 : i32
      %lt3A_31 = arith.cmpi slt, %scan3A_28, %lt3A : i32
      %convert_element_type3A = arith.extui %lt3A_31 : i1 to i32
      %cond3A = arith.constant 0 : i32
      %cond3A_32 = arith.cmpi ne, %convert_element_type3A, %cond3A : i32
      scf.if %cond3A_32 {
        %add3A_43 = arith.constant 1 : i32
        %add3A_44 = arith.addi %scan3A_28, %add3A_43 : i32
        %dma_start3A_45 = arith.constant 0 : i32
        %dma_start3A_46 = arith.constant 0 : i32
        %dma_start3A_47 = tpu.memref_slice %arg9[%sub3A_30, %dma_start3A_45, %dma_start3A_46] : memref<2x500x64xf32, #tpu.memory_space<vmem>> -> memref<1x500x64xf32, #tpu.memory_space<vmem>>
        %dma_start3A_48 = tpu.memref_squeeze %dma_start3A_47 : memref<1x500x64xf32, #tpu.memory_space<vmem>> -> memref<500x64xf32, #tpu.memory_space<vmem>>
        %dma_start3A_49 = arith.constant 0 : i32
        %dma_start3A_50 = tpu.memref_slice %arg7[%add3A_44, %dma_start3A_49] : memref<20x500xi32, #tpu.memory_space<vmem>> -> memref<1x500xi32, #tpu.memory_space<vmem>>
        %dma_start3A_51 = tpu.memref_squeeze %dma_start3A_50 : memref<1x500xi32, #tpu.memory_space<vmem>> -> memref<500xi32, #tpu.memory_space<vmem>>
        %dma_start3A_52 = arith.constant 0 : i32
        %dma_start3A_53 = arith.constant 0 : i32
        %dma_start3A_54 = tpu.memref_slice %arg4[%dma_start3A_52, %dma_start3A_53] : memref<10000x64xf32, #tpu.memory_space<hbm>> -> memref<10000x64xf32, #tpu.memory_space<hbm>>
        tpu.enqueue_indirect_dma source(%dma_start3A_54 : memref<10000x64xf32, #tpu.memory_space<hbm>>) target(%dma_start3A_48 : memref<500x64xf32, #tpu.memory_space<vmem>>) offsets(%dma_start3A_51 : memref<500xi32, #tpu.memory_space<vmem>>) semaphore(%arg11 : memref<!tpu.dma_semaphore, #tpu.memory_space<semaphore_mem>>)
      } else {
      }
      %dma_wait3A = arith.constant 0 : i32
      %dma_wait3A_33 = arith.constant 0 : i32
      %dma_wait3A_34 = arith.constant 0 : i32
      %dma_wait3A_35 = tpu.memref_slice %arg9[%rem3A_29, %dma_wait3A_33, %dma_wait3A_34] : memref<2x500x64xf32, #tpu.memory_space<vmem>> -> memref<1x500x64xf32, #tpu.memory_space<vmem>>
      %dma_wait3A_36 = tpu.memref_squeeze %dma_wait3A_35 : memref<1x500x64xf32, #tpu.memory_space<vmem>> -> memref<500x64xf32, #tpu.memory_space<vmem>>
      %dma_wait3A_37 = arith.constant 0 : i32
      %dma_wait3A_38 = tpu.memref_slice %arg7[%dma_wait3A, %dma_wait3A_37] : memref<20x500xi32, #tpu.memory_space<vmem>> -> memref<1x500xi32, #tpu.memory_space<vmem>>
      %dma_wait3A_39 = tpu.memref_squeeze %dma_wait3A_38 : memref<1x500xi32, #tpu.memory_space<vmem>> -> memref<500xi32, #tpu.memory_space<vmem>>
      %dma_wait3A_40 = arith.constant 0 : i32
      %dma_wait3A_41 = arith.constant 0 : i32
      %dma_wait3A_42 = tpu.memref_slice %arg4[%dma_wait3A_40, %dma_wait3A_41] : memref<10000x64xf32, #tpu.memory_space<hbm>> -> memref<10000x64xf32, #tpu.memory_space<hbm>>
      tpu.wait_indirect_dma semaphore(%arg11 : memref<!tpu.dma_semaphore, #tpu.memory_space<semaphore_mem>>) src(%dma_wait3A_42 : memref<10000x64xf32, #tpu.memory_space<hbm>>) dst(%dma_wait3A_36 : memref<500x64xf32, #tpu.memory_space<vmem>>)
      "tpu.region"() ({
        %run_scoped3A = tpu.sem_alloc : memref<!tpu.dma_semaphore, #tpu.memory_space<semaphore_mem>>
        %dma_start3A_43 = arith.constant 0 : i32
        %dma_start3A_44 = arith.constant 0 : i32
        %dma_start3A_45 = tpu.memref_slice %arg9[%rem3A_29, %dma_start3A_43, %dma_start3A_44] : memref<2x500x64xf32, #tpu.memory_space<vmem>> -> memref<1x500x64xf32, #tpu.memory_space<vmem>>
        %dma_start3A_46 = tpu.memref_squeeze %dma_start3A_45 : memref<1x500x64xf32, #tpu.memory_space<vmem>> -> memref<500x64xf32, #tpu.memory_space<vmem>>
        %dma_start3A_47 = arith.constant 0 : i32
        %dma_start3A_48 = tpu.memref_slice %arg8[%scan3A_28, %dma_start3A_47] : memref<20x500xi32, #tpu.memory_space<vmem>> -> memref<1x500xi32, #tpu.memory_space<vmem>>
        %dma_start3A_49 = tpu.memref_squeeze %dma_start3A_48 : memref<1x500xi32, #tpu.memory_space<vmem>> -> memref<500xi32, #tpu.memory_space<vmem>>
        %dma_start3A_50 = arith.constant 0 : i32
        %dma_start3A_51 = arith.constant 0 : i32
        %dma_start3A_52 = tpu.memref_slice %arg10[%dma_start3A_50, %dma_start3A_51] : memref<10000x64xf32, #tpu.memory_space<vmem_shared>> -> memref<10000x64xf32, #tpu.memory_space<vmem_shared>>
        tpu.enqueue_indirect_dma source(%dma_start3A_46 : memref<500x64xf32, #tpu.memory_space<vmem>>) target(%dma_start3A_52 : memref<10000x64xf32, #tpu.memory_space<vmem_shared>>) offsets(%dma_start3A_49 : memref<500xi32, #tpu.memory_space<vmem>>) semaphore(%run_scoped3A : memref<!tpu.dma_semaphore, #tpu.memory_space<semaphore_mem>>) {add = true}
        %dma_wait3A_53 = arith.constant 0 : i32
        %dma_wait3A_54 = arith.constant 0 : i32
        %dma_wait3A_55 = tpu.memref_slice %arg9[%rem3A_29, %dma_wait3A_53, %dma_wait3A_54] : memref<2x500x64xf32, #tpu.memory_space<vmem>> -> memref<1x500x64xf32, #tpu.memory_space<vmem>>
        %dma_wait3A_56 = tpu.memref_squeeze %dma_wait3A_55 : memref<1x500x64xf32, #tpu.memory_space<vmem>> -> memref<500x64xf32, #tpu.memory_space<vmem>>
        %dma_wait3A_57 = arith.constant 0 : i32
        %dma_wait3A_58 = tpu.memref_slice %arg8[%scan3A_28, %dma_wait3A_57] : memref<20x500xi32, #tpu.memory_space<vmem>> -> memref<1x500xi32, #tpu.memory_space<vmem>>
        %dma_wait3A_59 = tpu.memref_squeeze %dma_wait3A_58 : memref<1x500xi32, #tpu.memory_space<vmem>> -> memref<500xi32, #tpu.memory_space<vmem>>
        %dma_wait3A_60 = arith.constant 0 : i32
        %dma_wait3A_61 = arith.constant 0 : i32
        %dma_wait3A_62 = tpu.memref_slice %arg10[%dma_wait3A_60, %dma_wait3A_61] : memref<10000x64xf32, #tpu.memory_space<vmem_shared>> -> memref<10000x64xf32, #tpu.memory_space<vmem_shared>>
        tpu.wait_indirect_dma semaphore(%run_scoped3A : memref<!tpu.dma_semaphore, #tpu.memory_space<semaphore_mem>>) src(%dma_wait3A_56 : memref<500x64xf32, #tpu.memory_space<vmem>>) dst(%dma_wait3A_62 : memref<10000x64xf32, #tpu.memory_space<vmem_shared>>)
        tpu.yield
      }) : () -> ()
    }
    %scan3A_22 = arith.constant 20 : i32
    %barrier3A_23 = arith.constant 0 : index
    tpu.barrier barrier_id(%barrier3A_23)
    %mul3A_24 = arith.constant 625 : i32
    %mul3A_25 = arith.muli %arg1, %mul3A_24 : i32
    %mul3A_26 = arith.constant 625 : i32
    %mul3A_27 = arith.muli %arg1, %mul3A_26 : i32
    "tpu.region"() ({
      %run_scoped3A = tpu.sem_alloc : memref<!tpu.dma_semaphore, #tpu.memory_space<semaphore_mem>>
      %dma_start3A_28 = arith.constant 0 : i32
      %dma_start3A_29 = tpu.memref_slice %arg6[%arg0, %mul3A_27, %dma_start3A_28] : memref<2x10000x64xf32, #tpu.memory_space<hbm>> -> memref<1x625x64xf32, #tpu.memory_space<hbm>>
      %dma_start3A_30 = tpu.memref_squeeze %dma_start3A_29 : memref<1x625x64xf32, #tpu.memory_space<hbm>> -> memref<625x64xf32, #tpu.memory_space<hbm>>
      %dma_start3A_31 = arith.constant 0 : i32
      %dma_start3A_32 = tpu.memref_slice %arg10[%mul3A_25, %dma_start3A_31] : memref<10000x64xf32, #tpu.memory_space<vmem_shared>> -> memref<625x64xf32, #tpu.memory_space<vmem_shared>>
      tpu.enqueue_dma source(%dma_start3A_32 : memref<625x64xf32, #tpu.memory_space<vmem_shared>>) target(%dma_start3A_30 : memref<625x64xf32, #tpu.memory_space<hbm>>) target_semaphore(%run_scoped3A : memref<!tpu.dma_semaphore, #tpu.memory_space<semaphore_mem>>)
      %dma_wait3A = arith.constant 0 : i32
      %dma_wait3A_33 = tpu.memref_slice %arg6[%arg0, %mul3A_27, %dma_wait3A] : memref<2x10000x64xf32, #tpu.memory_space<hbm>> -> memref<1x625x64xf32, #tpu.memory_space<hbm>>
      %dma_wait3A_34 = tpu.memref_squeeze %dma_wait3A_33 : memref<1x625x64xf32, #tpu.memory_space<hbm>> -> memref<625x64xf32, #tpu.memory_space<hbm>>
      %dma_wait3A_35 = arith.constant 0 : i32
      %dma_wait3A_36 = tpu.memref_slice %arg10[%mul3A_25, %dma_wait3A_35] : memref<10000x64xf32, #tpu.memory_space<vmem_shared>> -> memref<625x64xf32, #tpu.memory_space<vmem_shared>>
      tpu.wait_dma2 semaphore(%run_scoped3A : memref<!tpu.dma_semaphore, #tpu.memory_space<semaphore_mem>>) src(%dma_wait3A_36 : memref<625x64xf32, #tpu.memory_space<vmem_shared>>) dst(%dma_wait3A_34 : memref<625x64xf32, #tpu.memory_space<hbm>>)
      tpu.yield
    }) : () -> ()
    return
  }
}

module attributes {stable_mosaic.version = 14 : i64} {
  func.func @_prep_body(%arg0: memref<2x10000x16xf32, #tpu.memory_space<vmem>>, %arg1: memref<10000x128xf32, #tpu.memory_space<vmem>>, %arg2: memref<128x64xf32, #tpu.memory_space<vmem>>, %arg3: memref<10000x1xf32, #tpu.memory_space<vmem>>, %arg4: memref<10000x64xf32, #tpu.memory_space<vmem>>) attributes {dimension_semantics = [], scalar_prefetch = 0 : i64, scratch_operands = 0 : i64, tpu.core_type = #tpu.core_type<tc>} {
    %get3A = arith.constant 0 : index
    %get3A_0 = arith.constant 0 : index
    %get3A_1 = arith.constant 0 : index
    %get3A_2 = vector.load %arg0[%get3A, %get3A_0, %get3A_1] : memref<2x10000x16xf32, #tpu.memory_space<vmem>>, vector<1x10000x1xf32>
    %get3A_3 = vector.shape_cast %get3A_2 : vector<1x10000x1xf32> to vector<10000x1xf32>
    %get3A_4 = arith.constant 1 : index
    %get3A_5 = arith.constant 0 : index
    %get3A_6 = arith.constant 0 : index
    %get3A_7 = vector.load %arg0[%get3A_4, %get3A_5, %get3A_6] : memref<2x10000x16xf32, #tpu.memory_space<vmem>>, vector<1x10000x1xf32>
    %get3A_8 = vector.shape_cast %get3A_7 : vector<1x10000x1xf32> to vector<10000x1xf32>
    %add3A = arith.addf %get3A_3, %get3A_8 : vector<10000x1xf32>
    %add3A_9 = arith.constant 1.000000e+00 : f32
    %add3A_10 = vector.broadcast %add3A_9 : f32 to vector<10000x1xf32>
    %add3A_11 = arith.addf %add3A, %add3A_10 : vector<10000x1xf32>
    %rsqrt3A = math.rsqrt %add3A_11 : vector<10000x1xf32>
    %swap3A = arith.constant 0 : index
    %swap3A_12 = arith.constant 0 : index
    %swap3A_13 = vector.load %arg3[%swap3A, %swap3A_12] : memref<10000x1xf32, #tpu.memory_space<vmem>>, vector<10000x1xf32>
    tpu.vector_store %arg3[%swap3A, %swap3A_12], %rsqrt3A {strides = array<i32>} : memref<10000x1xf32, #tpu.memory_space<vmem>>, vector<10000x1xf32>,
    %get3A_14 = arith.constant 0 : index
    %get3A_15 = arith.constant 0 : index
    %get3A_16 = vector.load %arg1[%get3A_14, %get3A_15] : memref<10000x128xf32, #tpu.memory_space<vmem>>, vector<10000x128xf32>
    %get3A_17 = arith.constant 0 : index
    %get3A_18 = arith.constant 0 : index
    %get3A_19 = vector.load %arg2[%get3A_17, %get3A_18] : memref<128x64xf32, #tpu.memory_space<vmem>>, vector<128x64xf32>
    %dot_general3A = arith.constant dense<0.000000e+00> : vector<10000x64xf32>
    %dot_general3A_20 = tpu.matmul %get3A_16, %get3A_19, %dot_general3A {dimension_numbers = #tpu.dot_dimension_numbers<[1], [0], [0], [1], [0, 0, 1, 1], [], []>, transpose_lhs_hint = false} : vector<10000x128xf32>, vector<128x64xf32>, vector<10000x64xf32> -> vector<10000x64xf32>
    %mul3A = vector.broadcast %rsqrt3A : vector<10000x1xf32> to vector<10000x64xf32>
    %mul3A_21 = arith.mulf %dot_general3A_20, %mul3A : vector<10000x64xf32>
    %swap3A_22 = arith.constant 0 : index
    %swap3A_23 = arith.constant 0 : index
    %swap3A_24 = vector.load %arg4[%swap3A_22, %swap3A_23] : memref<10000x64xf32, #tpu.memory_space<vmem>>, vector<10000x64xf32>
    tpu.vector_store %arg4[%swap3A_22, %swap3A_23], %mul3A_21 {strides = array<i32>} : memref<10000x64xf32, #tpu.memory_space<vmem>>, vector<10000x64xf32>,
    return
  }
}

module attributes {stable_mosaic.version = 14 : i64} {
  func.func @_mid_body(%arg0: memref<2x10000x64xf32, #tpu.memory_space<vmem>>, %arg1: memref<10000x64xf32, #tpu.memory_space<vmem>>, %arg2: memref<10000x1xf32, #tpu.memory_space<vmem>>, %arg3: memref<1x64xf32, #tpu.memory_space<vmem>>, %arg4: memref<64x64xf32, #tpu.memory_space<vmem>>, %arg5: memref<10000x64xf32, #tpu.memory_space<vmem>>) attributes {dimension_semantics = [], scalar_prefetch = 0 : i64, scratch_operands = 0 : i64, tpu.core_type = #tpu.core_type<tc>} {
    %get3A = arith.constant 0 : index
    %get3A_0 = arith.constant 0 : index
    %get3A_1 = arith.constant 0 : index
    %get3A_2 = vector.load %arg0[%get3A, %get3A_0, %get3A_1] : memref<2x10000x64xf32, #tpu.memory_space<vmem>>, vector<1x10000x64xf32>
    %get3A_3 = vector.shape_cast %get3A_2 : vector<1x10000x64xf32> to vector<10000x64xf32>
    %get3A_4 = arith.constant 1 : index
    %get3A_5 = arith.constant 0 : index
    %get3A_6 = arith.constant 0 : index
    %get3A_7 = vector.load %arg0[%get3A_4, %get3A_5, %get3A_6] : memref<2x10000x64xf32, #tpu.memory_space<vmem>>, vector<1x10000x64xf32>
    %get3A_8 = vector.shape_cast %get3A_7 : vector<1x10000x64xf32> to vector<10000x64xf32>
    %add3A = arith.addf %get3A_3, %get3A_8 : vector<10000x64xf32>
    %get3A_9 = arith.constant 0 : index
    %get3A_10 = arith.constant 0 : index
    %get3A_11 = vector.load %arg1[%get3A_9, %get3A_10] : memref<10000x64xf32, #tpu.memory_space<vmem>>, vector<10000x64xf32>
    %add3A_12 = arith.addf %add3A, %get3A_11 : vector<10000x64xf32>
    %get3A_13 = arith.constant 0 : index
    %get3A_14 = arith.constant 0 : index
    %get3A_15 = vector.load %arg2[%get3A_13, %get3A_14] : memref<10000x1xf32, #tpu.memory_space<vmem>>, vector<10000x1xf32>
    %mul3A = vector.broadcast %get3A_15 : vector<10000x1xf32> to vector<10000x64xf32>
    %mul3A_16 = arith.mulf %add3A_12, %mul3A : vector<10000x64xf32>
    %get3A_17 = arith.constant 0 : index
    %get3A_18 = arith.constant 0 : index
    %get3A_19 = vector.load %arg3[%get3A_17, %get3A_18] : memref<1x64xf32, #tpu.memory_space<vmem>>, vector<1x64xf32>
    %add3A_20 = vector.broadcast %get3A_19 : vector<1x64xf32> to vector<10000x64xf32>
    %add3A_21 = arith.addf %mul3A_16, %add3A_20 : vector<10000x64xf32>
    %max3A = arith.constant 0.000000e+00 : f32
    %max3A_22 = vector.broadcast %max3A : f32 to vector<10000x64xf32>
    %max3A_23 = arith.maximumf %add3A_21, %max3A_22 : vector<10000x64xf32>
    %get3A_24 = arith.constant 0 : index
    %get3A_25 = arith.constant 0 : index
    %get3A_26 = vector.load %arg4[%get3A_24, %get3A_25] : memref<64x64xf32, #tpu.memory_space<vmem>>, vector<64x64xf32>
    %dot_general3A = arith.constant dense<0.000000e+00> : vector<10000x64xf32>
    %dot_general3A_27 = tpu.matmul %max3A_23, %get3A_26, %dot_general3A {dimension_numbers = #tpu.dot_dimension_numbers<[1], [0], [0], [1], [0, 0, 1, 1], [], []>, transpose_lhs_hint = false} : vector<10000x64xf32>, vector<64x64xf32>, vector<10000x64xf32> -> vector<10000x64xf32>
    %get3A_28 = arith.constant 0 : index
    %get3A_29 = arith.constant 0 : index
    %get3A_30 = vector.load %arg2[%get3A_28, %get3A_29] : memref<10000x1xf32, #tpu.memory_space<vmem>>, vector<10000x1xf32>
    %mul3A_31 = vector.broadcast %get3A_30 : vector<10000x1xf32> to vector<10000x64xf32>
    %mul3A_32 = arith.mulf %dot_general3A_27, %mul3A_31 : vector<10000x64xf32>
    %swap3A = arith.constant 0 : index
    %swap3A_33 = arith.constant 0 : index
    %swap3A_34 = vector.load %arg5[%swap3A, %swap3A_33] : memref<10000x64xf32, #tpu.memory_space<vmem>>, vector<10000x64xf32>
    tpu.vector_store %arg5[%swap3A, %swap3A_33], %mul3A_32 {strides = array<i32>} : memref<10000x64xf32, #tpu.memory_space<vmem>>, vector<10000x64xf32>,
    return
  }
}

module attributes {stable_mosaic.version = 14 : i64} {
  func.func @_fin_body(%arg0: memref<2x10000x64xf32, #tpu.memory_space<vmem>>, %arg1: memref<10000x64xf32, #tpu.memory_space<vmem>>, %arg2: memref<10000x1xf32, #tpu.memory_space<vmem>>, %arg3: memref<1x64xf32, #tpu.memory_space<vmem>>, %arg4: memref<64x1xf32, #tpu.memory_space<vmem>>, %arg5: memref<1x1xf32, #tpu.memory_space<vmem>>, %arg6: memref<10000x1xf32, #tpu.memory_space<vmem>>) attributes {dimension_semantics = [], scalar_prefetch = 0 : i64, scratch_operands = 0 : i64, tpu.core_type = #tpu.core_type<tc>} {
    %get3A = arith.constant 0 : index
    %get3A_0 = arith.constant 0 : index
    %get3A_1 = arith.constant 0 : index
    %get3A_2 = vector.load %arg0[%get3A, %get3A_0, %get3A_1] : memref<2x10000x64xf32, #tpu.memory_space<vmem>>, vector<1x10000x64xf32>
    %get3A_3 = vector.shape_cast %get3A_2 : vector<1x10000x64xf32> to vector<10000x64xf32>
    %get3A_4 = arith.constant 1 : index
    %get3A_5 = arith.constant 0 : index
    %get3A_6 = arith.constant 0 : index
    %get3A_7 = vector.load %arg0[%get3A_4, %get3A_5, %get3A_6] : memref<2x10000x64xf32, #tpu.memory_space<vmem>>, vector<1x10000x64xf32>
    %get3A_8 = vector.shape_cast %get3A_7 : vector<1x10000x64xf32> to vector<10000x64xf32>
    %add3A = arith.addf %get3A_3, %get3A_8 : vector<10000x64xf32>
    %get3A_9 = arith.constant 0 : index
    %get3A_10 = arith.constant 0 : index
    %get3A_11 = vector.load %arg1[%get3A_9, %get3A_10] : memref<10000x64xf32, #tpu.memory_space<vmem>>, vector<10000x64xf32>
    %add3A_12 = arith.addf %add3A, %get3A_11 : vector<10000x64xf32>
    %get3A_13 = arith.constant 0 : index
    %get3A_14 = arith.constant 0 : index
    %get3A_15 = vector.load %arg2[%get3A_13, %get3A_14] : memref<10000x1xf32, #tpu.memory_space<vmem>>, vector<10000x1xf32>
    %mul3A = vector.broadcast %get3A_15 : vector<10000x1xf32> to vector<10000x64xf32>
    %mul3A_16 = arith.mulf %add3A_12, %mul3A : vector<10000x64xf32>
    %get3A_17 = arith.constant 0 : index
    %get3A_18 = arith.constant 0 : index
    %get3A_19 = vector.load %arg3[%get3A_17, %get3A_18] : memref<1x64xf32, #tpu.memory_space<vmem>>, vector<1x64xf32>
    %add3A_20 = vector.broadcast %get3A_19 : vector<1x64xf32> to vector<10000x64xf32>
    %add3A_21 = arith.addf %mul3A_16, %add3A_20 : vector<10000x64xf32>
    %max3A = arith.constant 0.000000e+00 : f32
    %max3A_22 = vector.broadcast %max3A : f32 to vector<10000x64xf32>
    %max3A_23 = arith.maximumf %add3A_21, %max3A_22 : vector<10000x64xf32>
    %get3A_24 = arith.constant 0 : index
    %get3A_25 = arith.constant 0 : index
    %get3A_26 = vector.load %arg4[%get3A_24, %get3A_25] : memref<64x1xf32, #tpu.memory_space<vmem>>, vector<64x1xf32>
    %dot_general3A = arith.constant dense<0.000000e+00> : vector<10000x1xf32>
    %dot_general3A_27 = tpu.matmul %max3A_23, %get3A_26, %dot_general3A {dimension_numbers = #tpu.dot_dimension_numbers<[1], [0], [0], [1], [0, 0, 1, 1], [], []>, transpose_lhs_hint = false} : vector<10000x64xf32>, vector<64x1xf32>, vector<10000x1xf32> -> vector<10000x1xf32>
    %get3A_28 = arith.constant 0 : index
    %get3A_29 = arith.constant 0 : index
    %get3A_30 = vector.load %arg5[%get3A_28, %get3A_29] : memref<1x1xf32, #tpu.memory_space<vmem>>, vector<1x1xf32>
    %add3A_31 = vector.broadcast %get3A_30 : vector<1x1xf32> to vector<10000x1xf32>
    %add3A_32 = arith.addf %dot_general3A_27, %add3A_31 : vector<10000x1xf32>
    %swap3A = arith.constant 0 : index
    %swap3A_33 = arith.constant 0 : index
    %swap3A_34 = vector.load %arg6[%swap3A, %swap3A_33] : memref<10000x1xf32, #tpu.memory_space<vmem>>, vector<10000x1xf32>
    tpu.vector_store %arg6[%swap3A, %swap3A_33], %add3A_32 {strides = array<i32>} : memref<10000x1xf32, #tpu.memory_space<vmem>>, vector<10000x1xf32>,
    return
  }
}

</mosaic_0001>

<sc_bundles>
// kernel: kernel.10.cloned.1.call-start
scs
__scs_entry_jumppad:
0x0: {  	(pc) =	sbr.rel $0x88, $3  }
0x1: {  	(tag) =	ssettag $0x0;
	lr =	simm.s32 $0x1  }
0x2: {  	[smem:$0x3F97] =	sst lr;
	_ =	strace $0xD0000000  }
0x3: {  	_ = 	snop  }
0x4: {  	_ = 	snop  }
0x5: {  	_ = 	snop  }
0x6: {  	_ = 	snop  }
0x7: {  	_ = 	snop  }
__scs_overlays_trampoline_lowered:
0x8: {  	[smem:$0x3FA6] =	sst s0  }
0x9: {  	[smem:$0x3FA7] =	sst s1  }
0xa: {  	[smem:$0x3FA8] =	sst s2  }
0xb: {  	[smem:$0x3FA9] =	sst s3  }
0xc: {  	[smem:$0x3FAA] =	sst s4  }
0xd: {  	[smem:$0x3FAB] =	sst s5  }
0xe: {  	[smem:$0x3FAC] =	sst s6  }
0xf: {  	[smem:$0x3FAD] =	sst s7  }
0x10: {  	[smem:$0x3FAE] =	sst s8  }
0x11: {  	[smem:$0x3FAF] =	sst s9;
	s0 =	simm.s32 @!p0 $0x0  }
0x12: {  	s1 =	sld [smem:$0x3F95];
	s0 =	simm.s32 @p0 $0x1  }
0x13: {  	[smem:$0x3FB0] =	sst s0;
	s0 =	simm.s32 @!p1 $0x0  }
0x14: {  	s2 =	sld [smem:$0x3F94];
	s0 =	simm.s32 @p1 $0x1  }
0x15: {  	[smem:$0x3FB1] =	sst s0;
	s0 =	simm.s32 @!p2 $0x0  }
0x16: {  	s3 =	sld [smem:$0x3FDB];
	s0 =	simm.s32 @p2 $0x1  }
0x17: {  	s4 =	simm.s32 $0x1BF5;
	[smem:$0x3FB3] =	sst s0  }
0x18: {  	s0 =	sld [smem:$0x3F96];
	_ =	swait.ge [sflag:s4], $0x0  }
0x19: {  	s7 =	sld [smem:$0x3F97]  }
0x1a: {  	s8 =	sadd.s32 $0xFFFFE003, lr  }
0x1b: {  	s9 =	sadd.s32 $0xFFFFFEF7, lr;
	s5 =	simm.s32 $0xFFFFFFFF;
	p2 =	slt.u32 s8, $0xFFFFF086  }
0x1c: {  	p1 =	slt.u32 s9, $0xF7A;
	s5 =	simm.s32 @!p2 $0x0  }
0x1d: {  	s5 =	simm.s32 @p1 $0x1;
	p0 =	seq.s32 s7, s2  }
0x1e: {  	s7 =	smul.u32 @!p0 $0xF7A, s2;
	p2 =	seq.s32 @!p0 s5, $0x0  }
0x1f: {  	s9 =	smul.u32 $0xF7A, s1;
	s8 =	simm.s32 @!p0 $0x1BF5;
	p2 =	por !p2, p0  }
0x20: {  	[sflag:s8] =	ssyncset.s32 @!p0 $0xFFFFF086;
	s6 =	sadd.s32 @!p0 s3, s7;
	s7 =	simm.s32 @!p0 $0x108  }
0x21: {  	s3 =	sadd.s32 s3, s9;
	s6 =	sadd.s32 @!p0 $0x88, s6;
	s7 =	simm.s32 @p2 $0x1082  }
0x22: {  	[simem:s7], [sflag:s8] =	dma.local @!p0 [hbm:s6], $0xF7A  }
0x23: {  	s9 =	sor.u32 $0xD0000000, s2;
	s6 =	simm.s32 $0x108;
	_ =	swait.ge @!p0 [sflag:s8], $0x0  }
0x24: {  	s3 =	sadd.s32 $0x88, s3;
	s6 =	simm.s32 @!p1 $0x1082;
	[sflag:s4] =	ssyncset.s32 $0xFFFFF086  }
0x25: {  	[simem:s6], [sflag:s4] =	dma.local [hbm:s3], $0xF7A  }
0x26: {  	[smem:$0x3F97] =	sst s1;
	(tag) =	ssettag s2;
	_ =	strace s9  }
0x27: {  	s1 =	sld [smem:$0x3FA7]  }
0x28: {  	s2 =	sld [smem:$0x3FA8]  }
0x29: {  	s4 =	sld [smem:$0x3FAA]  }
0x2a: {  	p0 =	seq.s32 s5, $0x0;
	s5 =	sld [smem:$0x3FAB]  }
0x2b: {  	s6 =	sld [smem:$0x3FAC]  }
0x2c: {  	s7 =	sld [smem:$0x3FAD]  }
0x2d: {  	s3 =	simm.s32 $0x108;
	s8 =	sld [smem:$0x3FAE]  }
0x2e: {  	s3 =	simm.s32 @!p0 $0x1082;
	s9 =	sld [smem:$0x3FAF]  }
0x2f: {  	lr =	sadd.s32 s0, s3;
	s0 =	sld [smem:$0x3FA6]  }
0x30: {  	s3 =	sld [smem:$0x3FA9]  }
0x31: {  	[smem:$0x3FB2] =	sst s10  }
0x32: {  	s10 =	sld [smem:$0x3FB0];
	_ =	sdelay $0x3  }
0x33: {  	p0 =	seq.s32 s10, $0x1;
	s10 =	sld [smem:$0x3FB2];
	_ =	sdelay $0x3  }
0x34: {  	[smem:$0x3FB2] =	sst s10  }
0x35: {  	s10 =	sld [smem:$0x3FB1];
	_ =	sdelay $0x3  }
0x36: {  	p1 =	seq.s32 s10, $0x1;
	s10 =	sld [smem:$0x3FB2];
	_ =	sdelay $0x3  }
0x37: {  	[smem:$0x3FB2] =	sst s10  }
0x38: {  	s10 =	sld [smem:$0x3FB3]  }
0x39: {  	_ = 	snop;
	(pc) =	sbr.ind lr, $3  }
0x3a: {  	_ = 	snop  }
0x3b: {  	_ = 	snop  }
0x3c: {  	p2 =	seq.s32 s10, $0x1;
	s10 =	sld [smem:$0x3FB2]  }
0x3d: {  	_ =	shalt  }
0x3e: {  	_ =	shalt  }
0x3f: {  	_ =	shalt  }
0x40: {  	_ =	shalt  }
0x41: {  	_ =	shalt  }
0x42: {  	_ =	shalt  }
0x43: {  	_ =	shalt  }
0x44: {  	_ =	shalt  }
0x45: {  	_ =	shalt  }
0x46: {  	_ =	shalt  }
0x47: {  	_ =	shalt  }
0x48: {  	_ =	shalt  }
0x49: {  	_ =	shalt  }
0x4a: {  	_ =	shalt  }
0x4b: {  	_ =	shalt  }
0x4c: {  	_ =	shalt  }
0x4d: {  	_ =	shalt  }
0x4e: {  	_ =	shalt  }
0x4f: {  	_ =	shalt  }
0x50: {  	_ =	shalt  }
0x51: {  	_ =	shalt  }
0x52: {  	_ =	shalt  }
0x53: {  	_ =	shalt  }
0x54: {  	_ =	shalt  }
0x55: {  	_ =	shalt  }
0x56: {  	_ =	shalt  }
0x57: {  	_ =	shalt  }
0x58: {  	_ =	shalt  }
0x59: {  	_ =	shalt  }
0x5a: {  	_ =	shalt  }
0x5b: {  	_ =	shalt  }
0x5c: {  	_ =	shalt  }
0x5d: {  	_ =	shalt  }
0x5e: {  	_ =	shalt  }
0x5f: {  	_ =	shalt  }
0x60: {  	_ =	shalt  }
0x61: {  	_ =	shalt  }
0x62: {  	_ =	shalt  }
0x63: {  	_ =	shalt  }
0x64: {  	_ =	shalt  }
0x65: {  	_ =	shalt  }
0x66: {  	_ =	shalt  }
0x67: {  	_ =	shalt  }
0x68: {  	_ =	shalt  }
0x69: {  	_ =	shalt  }
0x6a: {  	_ =	shalt  }
0x6b: {  	_ =	shalt  }
0x6c: {  	_ =	shalt  }
0x6d: {  	_ =	shalt  }
0x6e: {  	_ =	shalt  }
0x6f: {  	_ =	shalt  }
0x70: {  	_ =	shalt  }
0x71: {  	_ =	shalt  }
0x72: {  	_ =	shalt  }
0x73: {  	_ =	shalt  }
0x74: {  	_ =	shalt  }
0x75: {  	_ =	shalt  }
0x76: {  	_ =	shalt  }
0x77: {  	_ =	shalt  }
0x78: {  	_ =	shalt  }
0x79: {  	_ =	shalt  }
0x7a: {  	_ =	shalt  }
0x7b: {  	_ =	shalt  }
0x7c: {  	_ =	shalt  }
0x7d: {  	_ =	shalt  }
0x7e: {  	_ =	shalt  }
0x7f: {  	_ =	shalt  }
0x80: {  	_ =	shalt  }
0x81: {  	_ =	shalt  }
0x82: {  	_ =	shalt  }
0x83: {  	_ =	shalt  }
0x84: {  	_ =	shalt  }
0x85: {  	_ =	shalt  }
0x86: {  	_ =	shalt  }
0x87: {  	_ =	shalt  }
.Lfunc_end0:
.L_simem_size_0:
called_computation_lowered:
.L_overlay_start_0:
0x88: {  	s2 =	sld [smem:$0x3FD9]  }
0x89: {  	s3 =	sld [smem:$0x3FFE];
	_ =	sdelay $0x1  }
0x8a: {  	s1 =	srdreg.scid  }
0x8b: {  	s0 =	sand.u32 $0x1, s1  }
0x8c: {  	s17 =	sshll.u32 s0, $0xA;
	s2 =	sadd.s32 s3, s2  }
0x8d: {  	s2 =	sadd.s32 s2, s17  }
0x8e: {  	[smem:$0x3FBE] =	sst s2  }
0x8f: {  	_ = 	snop  }
0x90: {  	s2 =	sld [smem:$0x3FD0];
	(tm) =	ssettm $0x1  }
0x91: {  	s18 =	sld [smem:$0x3FFB];
	_ =	sdelay $0x3  }
0x92: {  	_ =	strace s18  }
0x93: {  	s3 =	sld [smem:$0x3FFC];
	_ =	sdelay $0x3  }
0x94: {  	_ =	strace s3  }
0x95: {  	s3 =	sld [smem:$0x3FFD];
	_ =	sdelay $0x3  }
0x96: {  	_ =	strace s3  }
0x97: {  	_ =	strace $0x8FFFFFFF  }
0x98: {  	s19 =	sld [smem:$0x3FDB];
	_ =	sdelay $0x1  }
0x99: {  	s4 =	simm.s32 $_scs_section_size  }
0x9a: {  	s5 =	simm.s32 $_size__tile_overlayer_lowered;
	s6 =	simm.s32 $_tile_overlayer_lowered  }
0x9b: {  	s22 =	simm.s32 $0x1BFF;
	s21 =	sshll.u32 s6, $0x1;
	s3 =	sadd.s32 s4, s19  }
0x9c: {  	s7 =	simm.s32 $0x0;
	s20 =	sshll.u32 s5, $0x1;
	s5 =	sadd.s32 s21, s3  }
0x9d: {  	[timem:s7], [sflag:s22] =	dma.local [hbm:s5], s20  }
0x9e: {  	_ =	swait.ge [sflag:s22], s20  }
0x9f: {  	s4 =	ssub.s32 $0x0, s20;
	[sflag:s22] =	ssyncset.done $0x0  }
0xa0: {  	[sflag:s22] =	ssyncadd.s32 s4;
	_ =	sdelay $0x1  }
0xa1: {  	s23 =	simm.s32 $0x1B8B  }
0xa2: {  	_ =	swait.ge [sflag:s23], $0x1  }
0xa3: {  	[sflag:s23] =	ssyncset.done $0x0  }
0xa4: {  	s25 =	simm.s32 $0x1B8E;
	s24 =	sld [smem:$0x3FFE];
	[sflag:s23] =	ssyncadd.s32 $0xFFFFFFFF  }
0xa5: {  	s26 =	simm.s32 $execute0_lowered;
	[smem:$0x3FD2] =	sst s25  }
0xa6: {  	s5 =	sshll.u32 s26, $0x1;
	_ =	strace $0x80000046;
	[dreg:$0x1] =	wrdreg $0xFFFFFFFF  }
0xa7: {  	s28 =	simm.s32 $_size_execute0_lowered;
	s3 =	sadd.s32 s3, s5;
	[dreg:$0x0] =	wrdreg $0x0  }
0xa8: {  	s5 =	sshll.u32 s28, $0x1;
	[dreg:$0x2] =	wrdreg s3  }
0xa9: {  	[dreg:$0x3] =	wrdreg s5  }
0xaa: {  	[dreg:$0x4] =	wrdreg $0xC0  }
0xab: {  	_ =	task [dreg:s7], $0x5FFFF  }
0xac: {  	[dreg:$0x1] =	wrdreg $0xFFFFFFFF  }
0xad: {  	[dreg:$0x0] =	wrdreg $0x60  }
0xae: {  	[dreg:$0x2] =	wrdreg s24  }
0xaf: {  	[dreg:$0x3] =	wrdreg s2  }
0xb0: {  	[dreg:$0x4] =	wrdreg $0x46A00  }
0xb1: {  	[dreg:$0x5] =	wrdreg $0x9  }
0xb2: {  	_ =	task.clear_ibuf [dreg:s7], $0x6FFFF;
	_ =	strace $0x90000046  }
0xb3: {  	s29 =	simm.s32 $0x9;
	_ =	strace $0x80000048  }
0xb4: {  	_ =	swait.ge [sflag:s29], $0x1  }
0xb5: {  	[sflag:s29] =	ssyncadd.s32 $0xFFFFFFFF  }
0xb6: {  	_ =	strace $0x90000048  }
0xb7: {  	_ =	sfence  }
0xb8: {  	s30 =	sld [smem:$0x0];
	_ =	sdelay $0x2  }
0xb9: {  	s31 =	sshll.u32 s1, $0xD;
	s1 =	sshrl.u32 s1, $0x2  }
0xba: {  	s3 =	sand.u32 $0x4000, s31;
	s1 =	sadd.s32 s1, s30  }
0xbb: {  	s0 =	sor.u32 s3, s0;
	s1 =	sshll.u32 s1, $0x11  }
0xbc: {  	s0 =	sor.u32 s1, s0  }
0xbd: {  	s0 =	sadd.s32 $0x8F2B, s0  }
0xbe: {  	[sflag:s0] =	ssyncadd.remote.s32 $0x1  }
0xbf: {  	_ =	sfence.sel $0xFFFF  }
0xc0: {  	[dreg:$0x0] =	wrdreg $0xFFFFFFFF;
	(pc) =	sbr.abs _section_cstart, $3  }
0xc1: {  	[dreg:$0x1] =	wrdreg $0xFFFFFFFF  }
0xc2: {  	_ =	task.clear_ibuf [dreg:s7], $0x2FFFF;
	_ =	strace $0x9FFFFFFF  }
0xc3: {  	(tm) =	ssettm $0x7FFFFFFF  }
tec
execute0_lowered:
.L_overlay_start_1:
0x0: {  	(tag) =	ssettag $0x1  }
0x1: {  	s11 =	rddreg [dreg:$0x0]  }
0x2: {  	s1 =	rddreg [dreg:$0x1]  }
0x3: {  	s2 =	rddreg [dreg:$0x2];
	s0 =	stileid.u32  }
0x4: {  	s3 =	simm.s32 $0x0;
	s26 =	srdreg.scid;
	[dreg:$0x4] =	wrdreg s1  }
0x5: {  	[smem:$0x7FF] =	sst s3;
	s31 =	smul.u32 $0x2710, s0  }
0x6: {  	s4 =	sadd.s32 $0xBE00, s11;
	s5 =	sshll.u32 s0, $0x6;
	s1 =	sand.u32 $0x1, s26  }
0x7: {  	_ =	strace $0x80000047;
	s5 =	sor.u32 $0x1C01, s5;
	s6 =	sadd.s32 s31, s2  }
0x8: {  	s8 =	sshll.u32 s1, $0x4;
	s7 =	sshrl.u32 s6, $0x3;
	s6 =	simm.s32 $0x1  }
0x9: {  	[spmem:s7], [sflag:s5] =	dma.local [hbm:s4], $0x4E2  }
0xa: {  	s8 =	sor.u32 s0, s8;
	_ =	swait.ge [sflag:s6], $0x4E2  }
0xb: {  	s10 =	smul.u32 $0x4EC, s8;
	[sflag:s6] =	ssyncset.done $0x0  }
0xc: {  	s8 =	simm.s32 $0x2760;
	s9 =	rddreg [dreg:$0x4];
	[sflag:s6] =	ssyncadd.s32 $0xFFFFFB1E  }
0xd: {  	[tilespmem:s8], [sflag:$0x1] =	stream.linear.gather [hbm4b:s9+s3], $0x1F40, $0x38;
	[tilespmem:$0x6DB0] =	vst v63  }
0xe: {  	_ =	swait.ge [sflag:s6], $0x1F40  }
0xf: {  	s0 =	sadd.s32 s10, s11;
	[sflag:s6] =	ssyncset.done $0x0  }
0x10: {  	s9 =	sadd.s32 $0x2000, s0;
	[sflag:s6] =	ssyncadd.s32 $0xFFFFE0C0  }
0x11: {  	[tilespmem:s3], [sflag:$0x1] =	stream.linear.gather [hbm4b:s9+s3], $0x2760, $0x38;
	[tilespmem:$0x6DB0] =	vst v63  }
0x12: {  	_ =	swait.ge [sflag:s6], $0x2760  }
0x13: {  	[sflag:s6] =	ssyncset.done $0x0  }
0x14: {  	[sflag:s6] =	ssyncadd.s32 $0xFFFFD8A0  }
0x15: {  	s10 =	simm.s32 $0x1F4;
	[bflag:$0x0] =	sbarrier.arrive $0xFFFF  }
0x16: {  	[spmem:s2] =	stream.indirect.scatter.add.f32 [tilespmem:s8], [sflag:$0x1], $0x10, s3, s10, $0xb8;
	[tilespmem:$0x6DB0] =	vst v63  }
0x17: {  	_ =	swait.ge [sflag:s6], $0x1F40  }
0x18: {  	[sflag:s6] =	ssyncset.done $0x0  }
0x19: {  	s11 =	simm.s32 $0x1F8;
	[sflag:s6] =	ssyncadd.s32 $0xFFFFE0C0  }
0x1a: {  	[spmem:s2] =	stream.indirect.scatter.add.f32 [tilespmem:s8], [sflag:$0x1], $0x10, s11, s10, $0xb8;
	[tilespmem:$0x6DB0] =	vst v63  }
0x1b: {  	_ =	swait.ge [sflag:s6], $0x1F40  }
0x1c: {  	[sflag:s6] =	ssyncset.done $0x0  }
0x1d: {  	s12 =	simm.s32 $0x3F0;
	[sflag:s6] =	ssyncadd.s32 $0xFFFFE0C0  }
0x1e: {  	[spmem:s2] =	stream.indirect.scatter.add.f32 [tilespmem:s8], [sflag:$0x1], $0x10, s12, s10, $0xb8;
	[tilespmem:$0x6DB0] =	vst v63  }
0x1f: {  	_ =	swait.ge [sflag:s6], $0x1F40  }
0x20: {  	[sflag:s6] =	ssyncset.done $0x0  }
0x21: {  	s13 =	simm.s32 $0x5E8;
	[sflag:s6] =	ssyncadd.s32 $0xFFFFE0C0  }
0x22: {  	[spmem:s2] =	stream.indirect.scatter.add.f32 [tilespmem:s8], [sflag:$0x1], $0x10, s13, s10, $0xb8;
	[tilespmem:$0x6DB0] =	vst v63  }
0x23: {  	_ =	swait.ge [sflag:s6], $0x1F40  }
0x24: {  	[sflag:s6] =	ssyncset.done $0x0  }
0x25: {  	s14 =	simm.s32 $0x7E0;
	[sflag:s6] =	ssyncadd.s32 $0xFFFFE0C0  }
0x26: {  	[spmem:s2] =	stream.indirect.scatter.add.f32 [tilespmem:s8], [sflag:$0x1], $0x10, s14, s10, $0xb8;
	[tilespmem:$0x6DB0] =	vst v63  }
0x27: {  	_ =	swait.ge [sflag:s6], $0x1F40  }
0x28: {  	[sflag:s6] =	ssyncset.done $0x0  }
0x29: {  	s15 =	simm.s32 $0x9D8;
	[sflag:s6] =	ssyncadd.s32 $0xFFFFE0C0  }
0x2a: {  	[spmem:s2] =	stream.indirect.scatter.add.f32 [tilespmem:s8], [sflag:$0x1], $0x10, s15, s10, $0xb8;
	[tilespmem:$0x6DB0] =	vst v63  }
0x2b: {  	_ =	swait.ge [sflag:s6], $0x1F40  }
0x2c: {  	[sflag:s6] =	ssyncset.done $0x0  }
0x2d: {  	s16 =	simm.s32 $0xBD0;
	[sflag:s6] =	ssyncadd.s32 $0xFFFFE0C0  }
0x2e: {  	[spmem:s2] =	stream.indirect.scatter.add.f32 [tilespmem:s8], [sflag:$0x1], $0x10, s16, s10, $0xb8;
	[tilespmem:$0x6DB0] =	vst v63  }
0x2f: {  	_ =	swait.ge [sflag:s6], $0x1F40  }
0x30: {  	[sflag:s6] =	ssyncset.done $0x0  }
0x31: {  	s17 =	simm.s32 $0xDC8;
	[sflag:s6] =	ssyncadd.s32 $0xFFFFE0C0  }
0x32: {  	[spmem:s2] =	stream.indirect.scatter.add.f32 [tilespmem:s8], [sflag:$0x1], $0x10, s17, s10, $0xb8;
	[tilespmem:$0x6DB0] =	vst v63  }
0x33: {  	_ =	swait.ge [sflag:s6], $0x1F40  }
0x34: {  	[sflag:s6] =	ssyncset.done $0x0  }
0x35: {  	s18 =	simm.s32 $0xFC0;
	[sflag:s6] =	ssyncadd.s32 $0xFFFFE0C0  }
0x36: {  	[spmem:s2] =	stream.indirect.scatter.add.f32 [tilespmem:s8], [sflag:$0x1], $0x10, s18, s10, $0xb8;
	[tilespmem:$0x6DB0] =	vst v63  }
0x37: {  	_ =	swait.ge [sflag:s6], $0x1F40  }
0x38: {  	[sflag:s6] =	ssyncset.done $0x0  }
0x39: {  	s19 =	simm.s32 $0x11B8;
	[sflag:s6] =	ssyncadd.s32 $0xFFFFE0C0  }
0x3a: {  	[spmem:s2] =	stream.indirect.scatter.add.f32 [tilespmem:s8], [sflag:$0x1], $0x10, s19, s10, $0xb8;
	[tilespmem:$0x6DB0] =	vst v63  }
0x3b: {  	_ =	swait.ge [sflag:s6], $0x1F40  }
0x3c: {  	[sflag:s6] =	ssyncset.done $0x0  }
0x3d: {  	s20 =	simm.s32 $0x13B0;
	[sflag:s6] =	ssyncadd.s32 $0xFFFFE0C0  }
0x3e: {  	[spmem:s2] =	stream.indirect.scatter.add.f32 [tilespmem:s8], [sflag:$0x1], $0x10, s20, s10, $0xb8;
	[tilespmem:$0x6DB0] =	vst v63  }
0x3f: {  	_ =	swait.ge [sflag:s6], $0x1F40  }
0x40: {  	[sflag:s6] =	ssyncset.done $0x0  }
0x41: {  	s21 =	simm.s32 $0x15A8;
	[sflag:s6] =	ssyncadd.s32 $0xFFFFE0C0  }
0x42: {  	[spmem:s2] =	stream.indirect.scatter.add.f32 [tilespmem:s8], [sflag:$0x1], $0x10, s21, s10, $0xb8;
	[tilespmem:$0x6DB0] =	vst v63  }
0x43: {  	_ =	swait.ge [sflag:s6], $0x1F40  }
0x44: {  	[sflag:s6] =	ssyncset.done $0x0  }
0x45: {  	s22 =	simm.s32 $0x17A0;
	[sflag:s6] =	ssyncadd.s32 $0xFFFFE0C0  }
0x46: {  	[spmem:s2] =	stream.indirect.scatter.add.f32 [tilespmem:s8], [sflag:$0x1], $0x10, s22, s10, $0xb8;
	[tilespmem:$0x6DB0] =	vst v63  }
0x47: {  	_ =	swait.ge [sflag:s6], $0x1F40  }
0x48: {  	[sflag:s6] =	ssyncset.done $0x0  }
0x49: {  	s23 =	simm.s32 $0x1998;
	[sflag:s6] =	ssyncadd.s32 $0xFFFFE0C0  }
0x4a: {  	[spmem:s2] =	stream.indirect.scatter.add.f32 [tilespmem:s8], [sflag:$0x1], $0x10, s23, s10, $0xb8;
	[tilespmem:$0x6DB0] =	vst v63  }
0x4b: {  	_ =	swait.ge [sflag:s6], $0x1F40  }
0x4c: {  	[sflag:s6] =	ssyncset.done $0x0  }
0x4d: {  	s24 =	simm.s32 $0x1B90;
	[sflag:s6] =	ssyncadd.s32 $0xFFFFE0C0  }
0x4e: {  	[spmem:s2] =	stream.indirect.scatter.add.f32 [tilespmem:s8], [sflag:$0x1], $0x10, s24, s10, $0xb8;
	[tilespmem:$0x6DB0] =	vst v63  }
0x4f: {  	_ =	swait.ge [sflag:s6], $0x1F40  }
0x50: {  	[sflag:s6] =	ssyncset.done $0x0  }
0x51: {  	s25 =	simm.s32 $0x1D88;
	[sflag:s6] =	ssyncadd.s32 $0xFFFFE0C0  }
0x52: {  	[spmem:s2] =	stream.indirect.scatter.add.f32 [tilespmem:s8], [sflag:$0x1], $0x10, s25, s10, $0xb8;
	[tilespmem:$0x6DB0] =	vst v63  }
0x53: {  	_ =	swait.ge [sflag:s6], $0x1F40  }
0x54: {  	[sflag:s6] =	ssyncset.done $0x0  }
0x55: {  	s26 =	simm.s32 $0x1F80;
	[sflag:s6] =	ssyncadd.s32 $0xFFFFE0C0  }
0x56: {  	[spmem:s2] =	stream.indirect.scatter.add.f32 [tilespmem:s8], [sflag:$0x1], $0x10, s26, s10, $0xb8;
	[tilespmem:$0x6DB0] =	vst v63  }
0x57: {  	_ =	swait.ge [sflag:s6], $0x1F40  }
0x58: {  	[sflag:s6] =	ssyncset.done $0x0  }
0x59: {  	s28 =	simm.s32 $0x2178;
	[sflag:s6] =	ssyncadd.s32 $0xFFFFE0C0  }
0x5a: {  	[spmem:s2] =	stream.indirect.scatter.add.f32 [tilespmem:s8], [sflag:$0x1], $0x10, s28, s10, $0xb8;
	[tilespmem:$0x6DB0] =	vst v63  }
0x5b: {  	_ =	swait.ge [sflag:s6], $0x1F40  }
0x5c: {  	[sflag:s6] =	ssyncset.done $0x0  }
0x5d: {  	s29 =	simm.s32 $0x2370;
	s0 =	smul.u32 $0x27100, s1;
	[sflag:s6] =	ssyncadd.s32 $0xFFFFE0C0  }
0x5e: {  	[spmem:s2] =	stream.indirect.scatter.add.f32 [tilespmem:s8], [sflag:$0x1], $0x10, s29, s10, $0xb8;
	[tilespmem:$0x6DB0] =	vst v63  }
0x5f: {  	_ =	swait.ge [sflag:s6], $0x1F40  }
0x60: {  	s30 =	simm.s32 $0x2568;
	s0 =	sadd.s32 s31, s0;
	[sflag:s6] =	ssyncset.done $0x0  }
0x61: {  	s1 =	ssub.s32 $0x2, s1;
	s0 =	sshrl.u32 s0, $0x3;
	[sflag:s6] =	ssyncadd.s32 $0xFFFFE0C0  }
0x62: {  	[spmem:s2] =	stream.indirect.scatter.add.f32 [tilespmem:s8], [sflag:$0x1], $0x10, s30, s10, $0xb8;
	[tilespmem:$0x6DB0] =	vst v63  }
0x63: {  	_ =	swait.ge [sflag:s6], $0x1F40;
	[dreg:$0x5] =	wrdreg s0;
	s0 =	sshrl.u32 s1, $0x1  }
0x64: {  	[dreg:$0x6] =	wrdreg s0  }
0x65: {  	[sflag:s6] =	ssyncset.done $0x0;
	s31 =	rddreg [dreg:$0x5]  }
0x66: {  	s0 =	rddreg [dreg:$0x0]  }
0x67: {  	s0 =	sadd.s32 s31, s0;
	s31 =	rddreg [dreg:$0x6]  }
0x68: {  	s1 =	ssub.s32 s1, s31  }
0x69: {  	s1 =	smax.u32 s1, $0x1  }
0x6a: {  	p0 =	sne.s32 s1, $0x1  }
.Ltmp0:
0x6b: {  	[sflag:s6] =	ssyncadd.s32 $0xFFFFE0C0;
	(pc) =	sbr.rel @!p0 .LBB2_2-.Ltmp0, $4  }
0x6c: {  	[bflag:$0x0] =	sbarrier.arrive $0xFFFF;
	s31 =	sadd.s32 $0xC400, s0  }
0x6d: {  	[hbm:s31], [sflag:s5] =	dma.local [spmem:s7], $0x4E2  }
0x6e: {  	_ =	swait.ge [sflag:s6], $0x4E2  }
0x6f: {  	s0 =	sadd.s32 $0xFFFFFFFF, s1;
	[sflag:s6] =	ssyncset.done $0x0  }
.LBB2_1:
0x70: {  	[sflag:s6] =	ssyncadd.s32 $0xFFFFFB1E  }
0x71: {  	[spmem:s7], [sflag:s5] =	dma.local [hbm:s4], $0x4E2  }
0x72: {  	_ =	swait.ge [sflag:s6], $0x4E2  }
0x73: {  	[sflag:s6] =	ssyncset.done $0x0  }
0x74: {  	s1 =	rddreg [dreg:$0x4];
	[sflag:s6] =	ssyncadd.s32 $0xFFFFFB1E  }
0x75: {  	[tilespmem:s8], [sflag:$0x1] =	stream.linear.gather [hbm4b:s1+s3], $0x1F40, $0x38;
	[tilespmem:$0x6DB0] =	vst v63  }
0x76: {  	_ =	swait.ge [sflag:s6], $0x1F40  }
0x77: {  	[sflag:s6] =	ssyncset.done $0x0  }
0x78: {  	[sflag:s6] =	ssyncadd.s32 $0xFFFFE0C0  }
0x79: {  	[tilespmem:s3], [sflag:$0x1] =	stream.linear.gather [hbm4b:s9+s3], $0x2760, $0x38;
	[tilespmem:$0x6DB0] =	vst v63  }
0x7a: {  	_ =	swait.ge [sflag:s6], $0x2760  }
0x7b: {  	[sflag:s6] =	ssyncset.done $0x0  }
0x7c: {  	[sflag:s6] =	ssyncadd.s32 $0xFFFFD8A0  }
0x7d: {  	[bflag:$0x0] =	sbarrier.arrive $0xFFFF  }
0x7e: {  	[spmem:s2] =	stream.indirect.scatter.add.f32 [tilespmem:s8], [sflag:$0x1], $0x10, s3, s10, $0xb8;
	[tilespmem:$0x6DB0] =	vst v63  }
0x7f: {  	_ =	swait.ge [sflag:s6], $0x1F40  }
0x80: {  	[sflag:s6] =	ssyncset.done $0x0  }
0x81: {  	[sflag:s6] =	ssyncadd.s32 $0xFFFFE0C0  }
0x82: {  	[spmem:s2] =	stream.indirect.scatter.add.f32 [tilespmem:s8], [sflag:$0x1], $0x10, s11, s10, $0xb8;
	[tilespmem:$0x6DB0] =	vst v63  }
0x83: {  	_ =	swait.ge [sflag:s6], $0x1F40  }
0x84: {  	[sflag:s6] =	ssyncset.done $0x0  }
0x85: {  	[sflag:s6] =	ssyncadd.s32 $0xFFFFE0C0  }
0x86: {  	[spmem:s2] =	stream.indirect.scatter.add.f32 [tilespmem:s8], [sflag:$0x1], $0x10, s12, s10, $0xb8;
	[tilespmem:$0x6DB0] =	vst v63  }
0x87: {  	_ =	swait.ge [sflag:s6], $0x1F40  }
0x88: {  	[sflag:s6] =	ssyncset.done $0x0  }
0x89: {  	[sflag:s6] =	ssyncadd.s32 $0xFFFFE0C0  }
0x8a: {  	[spmem:s2] =	stream.indirect.scatter.add.f32 [tilespmem:s8], [sflag:$0x1], $0x10, s13, s10, $0xb8;
	[tilespmem:$0x6DB0] =	vst v63  }
0x8b: {  	_ =	swait.ge [sflag:s6], $0x1F40  }
0x8c: {  	[sflag:s6] =	ssyncset.done $0x0  }
0x8d: {  	[sflag:s6] =	ssyncadd.s32 $0xFFFFE0C0  }
0x8e: {  	[spmem:s2] =	stream.indirect.scatter.add.f32 [tilespmem:s8], [sflag:$0x1], $0x10, s14, s10, $0xb8;
	[tilespmem:$0x6DB0] =	vst v63  }
0x8f: {  	_ =	swait.ge [sflag:s6], $0x1F40  }
0x90: {  	[sflag:s6] =	ssyncset.done $0x0  }
0x91: {  	[sflag:s6] =	ssyncadd.s32 $0xFFFFE0C0  }
0x92: {  	[spmem:s2] =	stream.indirect.scatter.add.f32 [tilespmem:s8], [sflag:$0x1], $0x10, s15, s10, $0xb8;
	[tilespmem:$0x6DB0] =	vst v63  }
0x93: {  	_ =	swait.ge [sflag:s6], $0x1F40  }
0x94: {  	[sflag:s6] =	ssyncset.done $0x0  }
0x95: {  	[sflag:s6] =	ssyncadd.s32 $0xFFFFE0C0  }
0x96: {  	[spmem:s2] =	stream.indirect.scatter.add.f32 [tilespmem:s8], [sflag:$0x1], $0x10, s16, s10, $0xb8;
	[tilespmem:$0x6DB0] =	vst v63  }
0x97: {  	_ =	swait.ge [sflag:s6], $0x1F40  }
0x98: {  	[sflag:s6] =	ssyncset.done $0x0  }
0x99: {  	[sflag:s6] =	ssyncadd.s32 $0xFFFFE0C0  }
0x9a: {  	[spmem:s2] =	stream.indirect.scatter.add.f32 [tilespmem:s8], [sflag:$0x1], $0x10, s17, s10, $0xb8;
	[tilespmem:$0x6DB0] =	vst v63  }
0x9b: {  	_ =	swait.ge [sflag:s6], $0x1F40  }
0x9c: {  	[sflag:s6] =	ssyncset.done $0x0  }
0x9d: {  	[sflag:s6] =	ssyncadd.s32 $0xFFFFE0C0  }
0x9e: {  	[spmem:s2] =	stream.indirect.scatter.add.f32 [tilespmem:s8], [sflag:$0x1], $0x10, s18, s10, $0xb8;
	[tilespmem:$0x6DB0] =	vst v63  }
0x9f: {  	_ =	swait.ge [sflag:s6], $0x1F40  }
0xa0: {  	[sflag:s6] =	ssyncset.done $0x0  }
0xa1: {  	[sflag:s6] =	ssyncadd.s32 $0xFFFFE0C0  }
0xa2: {  	[spmem:s2] =	stream.indirect.scatter.add.f32 [tilespmem:s8], [sflag:$0x1], $0x10, s19, s10, $0xb8;
	[tilespmem:$0x6DB0] =	vst v63  }
0xa3: {  	_ =	swait.ge [sflag:s6], $0x1F40  }
0xa4: {  	[sflag:s6] =	ssyncset.done $0x0  }
0xa5: {  	[sflag:s6] =	ssyncadd.s32 $0xFFFFE0C0  }
0xa6: {  	[spmem:s2] =	stream.indirect.scatter.add.f32 [tilespmem:s8], [sflag:$0x1], $0x10, s20, s10, $0xb8;
	[tilespmem:$0x6DB0] =	vst v63  }
0xa7: {  	_ =	swait.ge [sflag:s6], $0x1F40  }
0xa8: {  	[sflag:s6] =	ssyncset.done $0x0  }
0xa9: {  	[sflag:s6] =	ssyncadd.s32 $0xFFFFE0C0  }
0xaa: {  	[spmem:s2] =	stream.indirect.scatter.add.f32 [tilespmem:s8], [sflag:$0x1], $0x10, s21, s10, $0xb8;
	[tilespmem:$0x6DB0] =	vst v63  }
0xab: {  	_ =	swait.ge [sflag:s6], $0x1F40  }
0xac: {  	[sflag:s6] =	ssyncset.done $0x0  }
0xad: {  	[sflag:s6] =	ssyncadd.s32 $0xFFFFE0C0  }
0xae: {  	[spmem:s2] =	stream.indirect.scatter.add.f32 [tilespmem:s8], [sflag:$0x1], $0x10, s22, s10, $0xb8;
	[tilespmem:$0x6DB0] =	vst v63  }
0xaf: {  	_ =	swait.ge [sflag:s6], $0x1F40  }
0xb0: {  	[sflag:s6] =	ssyncset.done $0x0  }
0xb1: {  	[sflag:s6] =	ssyncadd.s32 $0xFFFFE0C0  }
0xb2: {  	[spmem:s2] =	stream.indirect.scatter.add.f32 [tilespmem:s8], [sflag:$0x1], $0x10, s23, s10, $0xb8;
	[tilespmem:$0x6DB0] =	vst v63  }
0xb3: {  	_ =	swait.ge [sflag:s6], $0x1F40  }
0xb4: {  	[sflag:s6] =	ssyncset.done $0x0  }
0xb5: {  	[sflag:s6] =	ssyncadd.s32 $0xFFFFE0C0  }
0xb6: {  	[spmem:s2] =	stream.indirect.scatter.add.f32 [tilespmem:s8], [sflag:$0x1], $0x10, s24, s10, $0xb8;
	[tilespmem:$0x6DB0] =	vst v63  }
0xb7: {  	_ =	swait.ge [sflag:s6], $0x1F40  }
0xb8: {  	[sflag:s6] =	ssyncset.done $0x0  }
0xb9: {  	[sflag:s6] =	ssyncadd.s32 $0xFFFFE0C0  }
0xba: {  	[spmem:s2] =	stream.indirect.scatter.add.f32 [tilespmem:s8], [sflag:$0x1], $0x10, s25, s10, $0xb8;
	[tilespmem:$0x6DB0] =	vst v63  }
0xbb: {  	_ =	swait.ge [sflag:s6], $0x1F40  }
0xbc: {  	[sflag:s6] =	ssyncset.done $0x0  }
0xbd: {  	[sflag:s6] =	ssyncadd.s32 $0xFFFFE0C0  }
0xbe: {  	[spmem:s2] =	stream.indirect.scatter.add.f32 [tilespmem:s8], [sflag:$0x1], $0x10, s26, s10, $0xb8;
	[tilespmem:$0x6DB0] =	vst v63  }
0xbf: {  	_ =	swait.ge [sflag:s6], $0x1F40  }
0xc0: {  	[sflag:s6] =	ssyncset.done $0x0  }
0xc1: {  	[sflag:s6] =	ssyncadd.s32 $0xFFFFE0C0  }
0xc2: {  	[spmem:s2] =	stream.indirect.scatter.add.f32 [tilespmem:s8], [sflag:$0x1], $0x10, s28, s10, $0xb8;
	[tilespmem:$0x6DB0] =	vst v63  }
0xc3: {  	_ =	swait.ge [sflag:s6], $0x1F40  }
0xc4: {  	[sflag:s6] =	ssyncset.done $0x0  }
0xc5: {  	[sflag:s6] =	ssyncadd.s32 $0xFFFFE0C0  }
0xc6: {  	[spmem:s2] =	stream.indirect.scatter.add.f32 [tilespmem:s8], [sflag:$0x1], $0x10, s29, s10, $0xb8;
	[tilespmem:$0x6DB0] =	vst v63  }
0xc7: {  	_ =	swait.ge [sflag:s6], $0x1F40  }
0xc8: {  	[sflag:s6] =	ssyncset.done $0x0  }
0xc9: {  	[sflag:s6] =	ssyncadd.s32 $0xFFFFE0C0  }
0xca: {  	[spmem:s2] =	stream.indirect.scatter.add.f32 [tilespmem:s8], [sflag:$0x1], $0x10, s30, s10, $0xb8;
	[tilespmem:$0x6DB0] =	vst v63  }
0xcb: {  	_ =	swait.ge [sflag:s6], $0x1F40  }
0xcc: {  	p0 =	sne.s32 s0, $0x1;
	[sflag:s6] =	ssyncset.done $0x0  }
.Ltmp1:
0xcd: {  	[sflag:s6] =	ssyncadd.s32 $0xFFFFE0C0;
	(pc) =	sbr.rel @p0 .LBB2_1-.Ltmp1, $4  }
0xce: {  	[bflag:$0x0] =	sbarrier.arrive $0xFFFF  }
0xcf: {  	[hbm:s31], [sflag:s5] =	dma.local [spmem:s7], $0x4E2  }
0xd0: {  	_ =	swait.ge [sflag:s6], $0x4E2  }
0xd1: {  	s0 =	sadd.s32 $0xFFFFFFFF, s0;
	[sflag:s6] =	ssyncset.done $0x0  }
.LBB2_2:
0xd2: {  	[sflag:s6] =	ssyncadd.s32 $0xFFFFFB1E  }
0xd3: {  	_ =	sfence.sel $0x180000  }
0xd4: {  	[bflag:$0x0] =	sbarrier.arrive $0xFFFF  }
0xd5: {  	_ =	strace $0x90000047  }
0xd6: {  	s0 =	stileid.u32;
	[bflag:$0x2] =	sbarrier.arrive $0xFFFF  }
0xd7: {  	p0 =	sne.s32 s0, $0x0;
	s0 =	rddreg [dreg:$0x3]  }
0xd8: {  	s0 =	sadd.s32 @!p0 $0x100000, s0  }
0xd9: {  	[sflag:s0] =	ssyncadd.tile.s32 @!p0 $0x1;
	_ =	shalt  }
.Lfunc_end2:
_tile_overlayer_lowered:
.L_overlay_start_2:
0xda: {  	(tag) =	ssettag $0x2  }
0xdb: {  	s0 =	rddreg [dreg:$0x0];
	s2 =	stileid.u32  }
0xdc: {  	s1 =	rddreg [dreg:$0x1];
	p0 =	sne.s32 s2, $0x0  }
0xdd: {  	s3 =	rddreg [dreg:$0x2];
	[bflag:$0x3] =	sbarrier.arrive $0xFFFF;
	s2 =	simm.s32 @!p0 $0x1C01  }
0xde: {  	[timem:s3], [sflag:s2] =	dma.local @!p0 [hbm:s0], s1  }
0xdf: {  	s0 =	simm.s32 @!p0 $0x1  }
0xe0: {  	_ =	swait.ge @!p0 [sflag:s0], s1  }
0xe1: {  	s1 =	ssub.s32 @!p0 $0x0, s1;
	[sflag:s0] =	ssyncset.done @!p0 $0x0  }
0xe2: {  	[sflag:s0] =	ssyncadd.s32 @!p0 s1  }
0xe3: {  	[bflag:$0x3] =	sbarrier.arrive $0xFFFF  }
0xe4: {  	_ =	shalt  }

// kernel: kernel.13.cloned.1.call-start
scs
__scs_entry_jumppad:
0x0: {  	(pc) =	sbr.rel $0x88, $3  }
0x1: {  	(tag) =	ssettag $0x0;
	lr =	simm.s32 $0x1  }
0x2: {  	[smem:$0x3F97] =	sst lr;
	_ =	strace $0xD0000000  }
0x3: {  	_ = 	snop  }
0x4: {  	_ = 	snop  }
0x5: {  	_ = 	snop  }
0x6: {  	_ = 	snop  }
0x7: {  	_ = 	snop  }
__scs_overlays_trampoline_lowered:
0x8: {  	[smem:$0x3FA6] =	sst s0  }
0x9: {  	[smem:$0x3FA7] =	sst s1  }
0xa: {  	[smem:$0x3FA8] =	sst s2  }
0xb: {  	[smem:$0x3FA9] =	sst s3  }
0xc: {  	[smem:$0x3FAA] =	sst s4  }
0xd: {  	[smem:$0x3FAB] =	sst s5  }
0xe: {  	[smem:$0x3FAC] =	sst s6  }
0xf: {  	[smem:$0x3FAD] =	sst s7  }
0x10: {  	[smem:$0x3FAE] =	sst s8  }
0x11: {  	[smem:$0x3FAF] =	sst s9;
	s0 =	simm.s32 @!p0 $0x0  }
0x12: {  	s1 =	sld [smem:$0x3F95];
	s0 =	simm.s32 @p0 $0x1  }
0x13: {  	[smem:$0x3FB0] =	sst s0;
	s0 =	simm.s32 @!p1 $0x0  }
0x14: {  	s2 =	sld [smem:$0x3F94];
	s0 =	simm.s32 @p1 $0x1  }
0x15: {  	[smem:$0x3FB1] =	sst s0;
	s0 =	simm.s32 @!p2 $0x0  }
0x16: {  	s3 =	sld [smem:$0x3FDB];
	s0 =	simm.s32 @p2 $0x1  }
0x17: {  	s4 =	simm.s32 $0x1BF5;
	[smem:$0x3FB3] =	sst s0  }
0x18: {  	s0 =	sld [smem:$0x3F96];
	_ =	swait.ge [sflag:s4], $0x0  }
0x19: {  	s7 =	sld [smem:$0x3F97]  }
0x1a: {  	s8 =	sadd.s32 $0xFFFFE003, lr  }
0x1b: {  	s9 =	sadd.s32 $0xFFFFFEF7, lr;
	s5 =	simm.s32 $0xFFFFFFFF;
	p2 =	slt.u32 s8, $0xFFFFF086  }
0x1c: {  	p1 =	slt.u32 s9, $0xF7A;
	s5 =	simm.s32 @!p2 $0x0  }
0x1d: {  	s5 =	simm.s32 @p1 $0x1;
	p0 =	seq.s32 s7, s2  }
0x1e: {  	s7 =	smul.u32 @!p0 $0xF7A, s2;
	p2 =	seq.s32 @!p0 s5, $0x0  }
0x1f: {  	s9 =	smul.u32 $0xF7A, s1;
	s8 =	simm.s32 @!p0 $0x1BF5;
	p2 =	por !p2, p0  }
0x20: {  	[sflag:s8] =	ssyncset.s32 @!p0 $0xFFFFF086;
	s6 =	sadd.s32 @!p0 s3, s7;
	s7 =	simm.s32 @!p0 $0x108  }
0x21: {  	s3 =	sadd.s32 s3, s9;
	s6 =	sadd.s32 @!p0 $0x88, s6;
	s7 =	simm.s32 @p2 $0x1082  }
0x22: {  	[simem:s7], [sflag:s8] =	dma.local @!p0 [hbm:s6], $0xF7A  }
0x23: {  	s9 =	sor.u32 $0xD0000000, s2;
	s6 =	simm.s32 $0x108;
	_ =	swait.ge @!p0 [sflag:s8], $0x0  }
0x24: {  	s3 =	sadd.s32 $0x88, s3;
	s6 =	simm.s32 @!p1 $0x1082;
	[sflag:s4] =	ssyncset.s32 $0xFFFFF086  }
0x25: {  	[simem:s6], [sflag:s4] =	dma.local [hbm:s3], $0xF7A  }
0x26: {  	[smem:$0x3F97] =	sst s1;
	(tag) =	ssettag s2;
	_ =	strace s9  }
0x27: {  	s1 =	sld [smem:$0x3FA7]  }
0x28: {  	s2 =	sld [smem:$0x3FA8]  }
0x29: {  	s4 =	sld [smem:$0x3FAA]  }
0x2a: {  	p0 =	seq.s32 s5, $0x0;
	s5 =	sld [smem:$0x3FAB]  }
0x2b: {  	s6 =	sld [smem:$0x3FAC]  }
0x2c: {  	s7 =	sld [smem:$0x3FAD]  }
0x2d: {  	s3 =	simm.s32 $0x108;
	s8 =	sld [smem:$0x3FAE]  }
0x2e: {  	s3 =	simm.s32 @!p0 $0x1082;
	s9 =	sld [smem:$0x3FAF]  }
0x2f: {  	lr =	sadd.s32 s0, s3;
	s0 =	sld [smem:$0x3FA6]  }
0x30: {  	s3 =	sld [smem:$0x3FA9]  }
0x31: {  	[smem:$0x3FB2] =	sst s10  }
0x32: {  	s10 =	sld [smem:$0x3FB0];
	_ =	sdelay $0x3  }
0x33: {  	p0 =	seq.s32 s10, $0x1;
	s10 =	sld [smem:$0x3FB2];
	_ =	sdelay $0x3  }
0x34: {  	[smem:$0x3FB2] =	sst s10  }
0x35: {  	s10 =	sld [smem:$0x3FB1];
	_ =	sdelay $0x3  }
0x36: {  	p1 =	seq.s32 s10, $0x1;
	s10 =	sld [smem:$0x3FB2];
	_ =	sdelay $0x3  }
0x37: {  	[smem:$0x3FB2] =	sst s10  }
0x38: {  	s10 =	sld [smem:$0x3FB3]  }
0x39: {  	_ = 	snop;
	(pc) =	sbr.ind lr, $3  }
0x3a: {  	_ = 	snop  }
0x3b: {  	_ = 	snop  }
0x3c: {  	p2 =	seq.s32 s10, $0x1;
	s10 =	sld [smem:$0x3FB2]  }
0x3d: {  	_ =	shalt  }
0x3e: {  	_ =	shalt  }
0x3f: {  	_ =	shalt  }
0x40: {  	_ =	shalt  }
0x41: {  	_ =	shalt  }
0x42: {  	_ =	shalt  }
0x43: {  	_ =	shalt  }
0x44: {  	_ =	shalt  }
0x45: {  	_ =	shalt  }
0x46: {  	_ =	shalt  }
0x47: {  	_ =	shalt  }
0x48: {  	_ =	shalt  }
0x49: {  	_ =	shalt  }
0x4a: {  	_ =	shalt  }
0x4b: {  	_ =	shalt  }
0x4c: {  	_ =	shalt  }
0x4d: {  	_ =	shalt  }
0x4e: {  	_ =	shalt  }
0x4f: {  	_ =	shalt  }
0x50: {  	_ =	shalt  }
0x51: {  	_ =	shalt  }
0x52: {  	_ =	shalt  }
0x53: {  	_ =	shalt  }
0x54: {  	_ =	shalt  }
0x55: {  	_ =	shalt  }
0x56: {  	_ =	shalt  }
0x57: {  	_ =	shalt  }
0x58: {  	_ =	shalt  }
0x59: {  	_ =	shalt  }
0x5a: {  	_ =	shalt  }
0x5b: {  	_ =	shalt  }
0x5c: {  	_ =	shalt  }
0x5d: {  	_ =	shalt  }
0x5e: {  	_ =	shalt  }
0x5f: {  	_ =	shalt  }
0x60: {  	_ =	shalt  }
0x61: {  	_ =	shalt  }
0x62: {  	_ =	shalt  }
0x63: {  	_ =	shalt  }
0x64: {  	_ =	shalt  }
0x65: {  	_ =	shalt  }
0x66: {  	_ =	shalt  }
0x67: {  	_ =	shalt  }
0x68: {  	_ =	shalt  }
0x69: {  	_ =	shalt  }
0x6a: {  	_ =	shalt  }
0x6b: {  	_ =	shalt  }
0x6c: {  	_ =	shalt  }
0x6d: {  	_ =	shalt  }
0x6e: {  	_ =	shalt  }
0x6f: {  	_ =	shalt  }
0x70: {  	_ =	shalt  }
0x71: {  	_ =	shalt  }
0x72: {  	_ =	shalt  }
0x73: {  	_ =	shalt  }
0x74: {  	_ =	shalt  }
0x75: {  	_ =	shalt  }
0x76: {  	_ =	shalt  }
0x77: {  	_ =	shalt  }
0x78: {  	_ =	shalt  }
0x79: {  	_ =	shalt  }
0x7a: {  	_ =	shalt  }
0x7b: {  	_ =	shalt  }
0x7c: {  	_ =	shalt  }
0x7d: {  	_ =	shalt  }
0x7e: {  	_ =	shalt  }
0x7f: {  	_ =	shalt  }
0x80: {  	_ =	shalt  }
0x81: {  	_ =	shalt  }
0x82: {  	_ =	shalt  }
0x83: {  	_ =	shalt  }
0x84: {  	_ =	shalt  }
0x85: {  	_ =	shalt  }
0x86: {  	_ =	shalt  }
0x87: {  	_ =	shalt  }
.Lfunc_end0:
.L_simem_size_0:
called_computation.1_lowered:
.L_overlay_start_0:
0x88: {  	s2 =	sld [smem:$0x3FD9]  }
0x89: {  	s3 =	sld [smem:$0x3FFE];
	_ =	sdelay $0x1  }
0x8a: {  	s1 =	srdreg.scid  }
0x8b: {  	s0 =	sand.u32 $0x1, s1  }
0x8c: {  	s16 =	sshll.u32 s0, $0xA;
	s2 =	sadd.s32 s3, s2  }
0x8d: {  	s2 =	sadd.s32 s2, s16  }
0x8e: {  	[smem:$0x3FBE] =	sst s2  }
0x8f: {  	_ = 	snop  }
0x90: {  	(tm) =	ssettm $0x1  }
0x91: {  	s17 =	sld [smem:$0x3FFB];
	_ =	sdelay $0x3  }
0x92: {  	_ =	strace s17  }
0x93: {  	s2 =	sld [smem:$0x3FFC];
	_ =	sdelay $0x3  }
0x94: {  	_ =	strace s2  }
0x95: {  	s2 =	sld [smem:$0x3FFD];
	_ =	sdelay $0x3  }
0x96: {  	_ =	strace s2  }
0x97: {  	_ =	strace $0x8FFFFFFF  }
0x98: {  	s18 =	sld [smem:$0x3FDB];
	_ =	sdelay $0x1  }
0x99: {  	s19 =	simm.s32 $_scs_section_size  }
0x9a: {  	s4 =	simm.s32 $_size__tile_overlayer_lowered;
	s5 =	simm.s32 $_tile_overlayer_lowered  }
0x9b: {  	s22 =	simm.s32 $0x1BFF;
	s21 =	sshll.u32 s5, $0x1;
	s2 =	sadd.s32 s19, s18  }
0x9c: {  	s6 =	simm.s32 $0x0;
	s20 =	sshll.u32 s4, $0x1;
	s4 =	sadd.s32 s21, s2  }
0x9d: {  	[timem:s6], [sflag:s22] =	dma.local [hbm:s4], s20  }
0x9e: {  	_ =	swait.ge [sflag:s22], s20  }
0x9f: {  	s3 =	ssub.s32 $0x0, s20;
	[sflag:s22] =	ssyncset.done $0x0  }
0xa0: {  	[sflag:s22] =	ssyncadd.s32 s3;
	_ =	sdelay $0x1  }
0xa1: {  	s23 =	simm.s32 $0x1B8B  }
0xa2: {  	_ =	swait.ge [sflag:s23], $0x1  }
0xa3: {  	[sflag:s23] =	ssyncset.done $0x0  }
0xa4: {  	s25 =	simm.s32 $0x1B8E;
	s24 =	sld [smem:$0x3FFE];
	[sflag:s23] =	ssyncadd.s32 $0xFFFFFFFF  }
0xa5: {  	s26 =	simm.s32 $execute0_lowered;
	[smem:$0x3FD2] =	sst s25  }
0xa6: {  	s4 =	sshll.u32 s26, $0x1;
	_ =	strace $0x80000049;
	[dreg:$0x1] =	wrdreg $0xFFFFFFFF  }
0xa7: {  	s28 =	simm.s32 $_size_execute0_lowered;
	s2 =	sadd.s32 s2, s4;
	[dreg:$0x0] =	wrdreg $0x0  }
0xa8: {  	s4 =	sshll.u32 s28, $0x1;
	[dreg:$0x2] =	wrdreg s2  }
0xa9: {  	[dreg:$0x3] =	wrdreg s4  }
0xaa: {  	[dreg:$0x4] =	wrdreg $0xC0  }
0xab: {  	_ =	task [dreg:s6], $0x5FFFF  }
0xac: {  	[dreg:$0x1] =	wrdreg $0xFFFFFFFF  }
0xad: {  	[dreg:$0x0] =	wrdreg $0x60  }
0xae: {  	[dreg:$0x2] =	wrdreg s24  }
0xaf: {  	[dreg:$0x3] =	wrdreg $0x148C00  }
0xb0: {  	[dreg:$0x4] =	wrdreg $0x9  }
0xb1: {  	_ =	task.clear_ibuf [dreg:s6], $0x5FFFF;
	_ =	strace $0x90000049  }
0xb2: {  	s29 =	simm.s32 $0x9;
	_ =	strace $0x8000004B  }
0xb3: {  	_ =	swait.ge [sflag:s29], $0x1  }
0xb4: {  	[sflag:s29] =	ssyncadd.s32 $0xFFFFFFFF  }
0xb5: {  	_ =	strace $0x9000004B  }
0xb6: {  	_ =	sfence  }
0xb7: {  	s30 =	sld [smem:$0x0];
	_ =	sdelay $0x2  }
0xb8: {  	s31 =	sshll.u32 s1, $0xD;
	s1 =	sshrl.u32 s1, $0x2  }
0xb9: {  	s3 =	sand.u32 $0x4000, s31;
	s1 =	sadd.s32 s1, s30  }
0xba: {  	s0 =	sor.u32 s3, s0;
	s1 =	sshll.u32 s1, $0x11  }
0xbb: {  	s0 =	sor.u32 s1, s0  }
0xbc: {  	s0 =	sadd.s32 $0x8F2B, s0  }
0xbd: {  	[sflag:s0] =	ssyncadd.remote.s32 $0x1  }
0xbe: {  	_ =	sfence.sel $0xFFFF  }
0xbf: {  	[dreg:$0x0] =	wrdreg $0xFFFFFFFF;
	(pc) =	sbr.abs _section_cstart, $3  }
0xc0: {  	[dreg:$0x1] =	wrdreg $0xFFFFFFFF  }
0xc1: {  	_ =	task.clear_ibuf [dreg:s6], $0x2FFFF;
	_ =	strace $0x9FFFFFFF  }
0xc2: {  	(tm) =	ssettm $0x7FFFFFFF  }
0xc3: {  	_ =	shalt  }
tec
execute0_lowered:
.L_overlay_start_1:
0x0: {  	(tag) =	ssettag $0x1  }
0x1: {  	s0 =	srdreg.scid;
	s7 =	rddreg [dreg:$0x0]  }
0x2: {  	s2 =	rddreg [dreg:$0x1];
	s3 =	simm.s32 $0x0;
	s14 =	simm.s32 $0x4EC0  }
0x3: {  	s15 =	simm.s32 $0x1;
	s16 =	simm.s32 $0x4CC8;
	s17 =	simm.s32 $0xCBC0  }
0x4: {  	s18 =	simm.s32 $0x0;
	s6 =	sand.u32 $0x1, s0;
	s0 =	stileid.u32  }
0x5: {  	[smem:$0x7FF] =	sst s3;
	s1 =	sshll.u32 s6, $0x4;
	s8 =	smul.u32 $0x9C40, s0  }
0x6: {  	s5 =	smul.u32 $0x9C400, s6;
	s6 =	ssub.s32 $0x2, s6;
	s1 =	sor.u32 s0, s1  }
0x7: {  	s11 =	sshll.u32 s0, $0x6;
	s31 =	sshrl.u32 s6, $0x1;
	s4 =	smul.u32 $0x4EC, s1  }
0x8: {  	s1 =	rddreg [dreg:$0x2];
	_ =	strace $0x8000004A;
	s10 =	sadd.s32 s8, s5  }
0x9: {  	s5 =	sadd.s32 $0xBE00, s7;
	s12 =	ssub.s32 s6, s31;
	s13 =	sadd.s32 s8, s2  }
0xa: {  	s6 =	sor.u32 $0x1C02, s11;
	s10 =	sshrl.u32 s10, $0x3;
	s11 =	sshrl.u32 s13, $0x3  }
0xb: {  	s13 =	simm.s32 $0x1F4;
	s9 =	sadd.s32 s4, s7;
	s4 =	sadd.s32 $0x20000, s7  }
0xc: {  	s10 =	sadd.s32 s10, s7;
	s7 =	sadd.s32 $0x16200, s9;
	s8 =	sadd.s32 $0x2000, s9  }
0xd: {  	s9 =	sadd.s32 $0x33A00, s10;
	s10 =	smax.u32 s12, $0x1;
	s12 =	simm.s32 $0x2  }
.LBB2_1:
0xe: {  	[spmem:s11], [sflag:s6] =	dma.local [hbm:s5], $0x1388  }
0xf: {  	_ =	swait.ge [sflag:s12], $0x1388  }
0x10: {  	[sflag:s12] =	ssyncset.done $0x0  }
0x11: {  	[sflag:s12] =	ssyncadd.s32 $0xFFFFEC78  }
0x12: {  	[tilespmem:s3], [sflag:$0x2] =	stream.linear.gather [hbm4b:s7+s3], $0x2760, $0x38;
	[tilespmem:$0x1E500] =	vst v63  }
0x13: {  	_ =	swait.ge [sflag:s12], $0x2760  }
0x14: {  	[sflag:s12] =	ssyncset.done $0x0  }
0x15: {  	s19 =	simm.s32 $0x2760;
	s20 =	sand.u32 $0x1, s3;
	[sflag:s12] =	ssyncadd.s32 $0xFFFFD8A0  }
0x16: {  	[tilespmem:s19], [sflag:$0x2] =	stream.linear.gather [hbm4b:s8+s3], $0x2760, $0x38;
	[tilespmem:$0x1E500] =	vst v63  }
0x17: {  	s21 =	sxor.u32 $0x1, s20;
	_ =	swait.ge [sflag:s12], $0x2760  }
0x18: {  	s21 =	smul.u32 $0x1F400, s21;
	[sflag:s12] =	ssyncset.done $0x0  }
0x19: {  	[sflag:s12] =	ssyncadd.s32 $0xFFFFD8A0  }
0x1a: {  	s22 =	simm.s32 $0x1F8;
	s21 =	sshrl.u32 s21, $0x2;
	[bflag:$0x0] =	sbarrier.arrive $0xFFFF  }
0x1b: {  	[tilespmem:s14], [sflag:$0x1] =	stream.indirect.gather [hbm4b:s4+s13], $0x40, s3, s13, $0xb8;
	[tilespmem:$0x1E500] =	vst v63  }
0x1c: {  	s30 =	simm.s32 $0x1;
	s20 =	smul.u32 $0x1F400, s20;
	s21 =	sadd.s32 $0x4EC0, s21  }
0x1d: {  	[tilespmem:s21], [sflag:$0x1] =	stream.indirect.gather [hbm4b:s4+s13], $0x40, s22, s13, $0xb8;
	[tilespmem:$0x1E500] =	vst v63  }
0x1e: {  	s20 =	sshrl.u32 s20, $0x2;
	s21 =	sand.u32 $0x1, s30;
	_ =	swait.ge [sflag:s15], $0x7D00  }
0x1f: {  	s31 =	sxor.u32 $0x1, s21;
	s21 =	smul.u32 $0x1F400, s21;
	[sflag:s15] =	ssyncset.done $0x0  }
0x20: {  	s20 =	sadd.s32 $0x4EC0, s20;
	s23 =	smul.u32 $0x1F400, s31;
	[sflag:s15] =	ssyncadd.s32 $0xFFFF8300  }
0x21: {  	[spmem:s2] =	stream.indirect.scatter.add.f32 [tilespmem:s20], [sflag:$0x2], $0x40, s19, s13, $0xb8;
	[tilespmem:$0x1E500] =	vst v63  }
0x22: {  	s22 =	simm.s32 $0x2;
	s20 =	simm.s32 $0x3F0;
	s19 =	simm.s32 $0x2958  }
.LBB2_2:
0x23: {  	s23 =	sshrl.u32 s23, $0x2;
	s21 =	sshrl.u32 s21, $0x2  }
0x24: {  	_ =	swait.ge [sflag:s12], $0x7D00;
	s24 =	smov.u32 s22;
	s25 =	smov.u32 s19  }
0x25: {  	s26 =	sadd.s32 $0x1, s22;
	s23 =	sadd.s32 $0x4EC0, s23;
	[sflag:s12] =	ssyncset.done $0x0  }
0x26: {  	p0 =	sne.s32 s22, $0x12;
	[sflag:s12] =	ssyncadd.s32 $0xFFFF8300  }
0x27: {  	[tilespmem:s23], [sflag:$0x1] =	stream.indirect.gather [hbm4b:s4+s13], $0x40, s20, s13, $0xb8;
	[tilespmem:$0x1E500] =	vst v63  }
.Ltmp0:
0x28: {  	s19 =	sadd.s32 $0x1F8, s19;
	s20 =	sadd.s32 $0x1F8, s20;
	(pc) =	sbr.rel @p0 .LBB2_2-.Ltmp0, $4  }
0x29: {  	s22 =	sand.u32 $0x1, s24;
	s24 =	sadd.s32 $0x4EC0, s21;
	_ =	swait.ge [sflag:s15], $0x7D00  }
0x2a: {  	s21 =	smul.u32 $0x1F400, s22;
	s23 =	sxor.u32 $0x1, s22;
	[sflag:s15] =	ssyncset.done $0x0  }
0x2b: {  	s22 =	smov.u32 s26;
	s23 =	smul.u32 $0x1F400, s23;
	[sflag:s15] =	ssyncadd.s32 $0xFFFF8300  }
0x2c: {  	[spmem:s2] =	stream.indirect.scatter.add.f32 [tilespmem:s24], [sflag:$0x2], $0x40, s25, s13, $0xb8;
	[tilespmem:$0x1E500] =	vst v63  }
0x2d: {  	_ =	swait.ge [sflag:s12], $0x7D00  }
0x2e: {  	s22 =	sshrl.u32 s23, $0x2;
	[sflag:s12] =	ssyncset.done $0x0  }
0x2f: {  	s22 =	sadd.s32 $0x4EC0, s22;
	[sflag:s12] =	ssyncadd.s32 $0xFFFF8300  }
0x30: {  	[tilespmem:s22], [sflag:$0x1] =	stream.indirect.gather [hbm4b:s4+s13], $0x40, s20, s13, $0xb8;
	[tilespmem:$0x1E500] =	vst v63  }
0x31: {  	_ =	swait.ge [sflag:s15], $0x7D00  }
0x32: {  	s31 =	sshrl.u32 s21, $0x2;
	[sflag:s15] =	ssyncset.done $0x0  }
0x33: {  	s20 =	sadd.s32 $0x4EC0, s31;
	[sflag:s15] =	ssyncadd.s32 $0xFFFF8300  }
0x34: {  	[spmem:s2] =	stream.indirect.scatter.add.f32 [tilespmem:s20], [sflag:$0x2], $0x40, s19, s13, $0xb8;
	[tilespmem:$0x1E500] =	vst v63  }
0x35: {  	_ =	swait.ge [sflag:s12], $0x7D00  }
0x36: {  	[sflag:s12] =	ssyncset.done $0x0  }
0x37: {  	[sflag:s12] =	ssyncadd.s32 $0xFFFF8300  }
0x38: {  	_ =	swait.ge [sflag:s15], $0x7D00  }
0x39: {  	[sflag:s15] =	ssyncset.done $0x0  }
0x3a: {  	[sflag:s15] =	ssyncadd.s32 $0xFFFF8300  }
0x3b: {  	[spmem:s2] =	stream.indirect.scatter.add.f32 [tilespmem:s17], [sflag:$0x2], $0x40, s16, s13, $0xb8;
	[tilespmem:$0x1E500] =	vst v63  }
0x3c: {  	_ =	swait.ge [sflag:s12], $0x7D00  }
0x3d: {  	s18 =	sadd.s32 $0x1, s18;
	[sflag:s12] =	ssyncset.done $0x0  }
0x3e: {  	p0 =	sne.s32 s18, s10;
	[sflag:s12] =	ssyncadd.s32 $0xFFFF8300  }
.Ltmp1:
0x3f: {  	[bflag:$0x0] =	sbarrier.arrive $0xFFFF;
	(pc) =	sbr.rel @p0 .LBB2_1-.Ltmp1, $4  }
0x40: {  	[hbm:s9], [sflag:s6] =	dma.local [spmem:s11], $0x1388  }
0x41: {  	_ =	swait.ge [sflag:s12], $0x1388  }
0x42: {  	[sflag:s12] =	ssyncset.done $0x0  }
0x43: {  	[sflag:s12] =	ssyncadd.s32 $0xFFFFEC78  }
0x44: {  	_ =	sfence.sel $0x180000  }
0x45: {  	[bflag:$0x0] =	sbarrier.arrive $0xFFFF  }
0x46: {  	p0 =	sne.s32 s0, $0x0;
	_ =	strace $0x9000004A  }
0x47: {  	s0 =	sadd.s32 @!p0 $0x100000, s1;
	[bflag:$0x2] =	sbarrier.arrive $0xFFFF  }
0x48: {  	[sflag:s0] =	ssyncadd.tile.s32 @!p0 $0x1;
	_ =	shalt  }
.Lfunc_end2:
_tile_overlayer_lowered:
.L_overlay_start_2:
0x49: {  	(tag) =	ssettag $0x2  }
0x4a: {  	s0 =	rddreg [dreg:$0x0];
	s2 =	stileid.u32  }
0x4b: {  	s1 =	rddreg [dreg:$0x1];
	p0 =	sne.s32 s2, $0x0  }
0x4c: {  	s3 =	rddreg [dreg:$0x2];
	[bflag:$0x3] =	sbarrier.arrive $0xFFFF;
	s2 =	simm.s32 @!p0 $0x1C02  }
0x4d: {  	[timem:s3], [sflag:s2] =	dma.local @!p0 [hbm:s0], s1  }
0x4e: {  	s0 =	simm.s32 @!p0 $0x2  }
0x4f: {  	_ =	swait.ge @!p0 [sflag:s0], s1  }
0x50: {  	s1 =	ssub.s32 @!p0 $0x0, s1;
	[sflag:s0] =	ssyncset.done @!p0 $0x0  }
0x51: {  	[sflag:s0] =	ssyncadd.s32 @!p0 s1  }
0x52: {  	[bflag:$0x3] =	sbarrier.arrive $0xFFFF  }
0x53: {  	_ =	shalt  }

// kernel: kernel.16.cloned.1.call-start
scs
__scs_entry_jumppad:
0x0: {  	(pc) =	sbr.rel $0x88, $3  }
0x1: {  	(tag) =	ssettag $0x0;
	lr =	simm.s32 $0x1  }
0x2: {  	[smem:$0x3F97] =	sst lr;
	_ =	strace $0xD0000000  }
0x3: {  	_ = 	snop  }
0x4: {  	_ = 	snop  }
0x5: {  	_ = 	snop  }
0x6: {  	_ = 	snop  }
0x7: {  	_ = 	snop  }
__scs_overlays_trampoline_lowered:
0x8: {  	[smem:$0x3FA6] =	sst s0  }
0x9: {  	[smem:$0x3FA7] =	sst s1  }
0xa: {  	[smem:$0x3FA8] =	sst s2  }
0xb: {  	[smem:$0x3FA9] =	sst s3  }
0xc: {  	[smem:$0x3FAA] =	sst s4  }
0xd: {  	[smem:$0x3FAB] =	sst s5  }
0xe: {  	[smem:$0x3FAC] =	sst s6  }
0xf: {  	[smem:$0x3FAD] =	sst s7  }
0x10: {  	[smem:$0x3FAE] =	sst s8  }
0x11: {  	[smem:$0x3FAF] =	sst s9;
	s0 =	simm.s32 @!p0 $0x0  }
0x12: {  	s1 =	sld [smem:$0x3F95];
	s0 =	simm.s32 @p0 $0x1  }
0x13: {  	[smem:$0x3FB0] =	sst s0;
	s0 =	simm.s32 @!p1 $0x0  }
0x14: {  	s2 =	sld [smem:$0x3F94];
	s0 =	simm.s32 @p1 $0x1  }
0x15: {  	[smem:$0x3FB1] =	sst s0;
	s0 =	simm.s32 @!p2 $0x0  }
0x16: {  	s3 =	sld [smem:$0x3FDB];
	s0 =	simm.s32 @p2 $0x1  }
0x17: {  	s4 =	simm.s32 $0x1BF5;
	[smem:$0x3FB3] =	sst s0  }
0x18: {  	s0 =	sld [smem:$0x3F96];
	_ =	swait.ge [sflag:s4], $0x0  }
0x19: {  	s7 =	sld [smem:$0x3F97]  }
0x1a: {  	s8 =	sadd.s32 $0xFFFFE003, lr  }
0x1b: {  	s9 =	sadd.s32 $0xFFFFFEF7, lr;
	s5 =	simm.s32 $0xFFFFFFFF;
	p2 =	slt.u32 s8, $0xFFFFF086  }
0x1c: {  	p1 =	slt.u32 s9, $0xF7A;
	s5 =	simm.s32 @!p2 $0x0  }
0x1d: {  	s5 =	simm.s32 @p1 $0x1;
	p0 =	seq.s32 s7, s2  }
0x1e: {  	s7 =	smul.u32 @!p0 $0xF7A, s2;
	p2 =	seq.s32 @!p0 s5, $0x0  }
0x1f: {  	s9 =	smul.u32 $0xF7A, s1;
	s8 =	simm.s32 @!p0 $0x1BF5;
	p2 =	por !p2, p0  }
0x20: {  	[sflag:s8] =	ssyncset.s32 @!p0 $0xFFFFF086;
	s6 =	sadd.s32 @!p0 s3, s7;
	s7 =	simm.s32 @!p0 $0x108  }
0x21: {  	s3 =	sadd.s32 s3, s9;
	s6 =	sadd.s32 @!p0 $0x88, s6;
	s7 =	simm.s32 @p2 $0x1082  }
0x22: {  	[simem:s7], [sflag:s8] =	dma.local @!p0 [hbm:s6], $0xF7A  }
0x23: {  	s9 =	sor.u32 $0xD0000000, s2;
	s6 =	simm.s32 $0x108;
	_ =	swait.ge @!p0 [sflag:s8], $0x0  }
0x24: {  	s3 =	sadd.s32 $0x88, s3;
	s6 =	simm.s32 @!p1 $0x1082;
	[sflag:s4] =	ssyncset.s32 $0xFFFFF086  }
0x25: {  	[simem:s6], [sflag:s4] =	dma.local [hbm:s3], $0xF7A  }
0x26: {  	[smem:$0x3F97] =	sst s1;
	(tag) =	ssettag s2;
	_ =	strace s9  }
0x27: {  	s1 =	sld [smem:$0x3FA7]  }
0x28: {  	s2 =	sld [smem:$0x3FA8]  }
0x29: {  	s4 =	sld [smem:$0x3FAA]  }
0x2a: {  	p0 =	seq.s32 s5, $0x0;
	s5 =	sld [smem:$0x3FAB]  }
0x2b: {  	s6 =	sld [smem:$0x3FAC]  }
0x2c: {  	s7 =	sld [smem:$0x3FAD]  }
0x2d: {  	s3 =	simm.s32 $0x108;
	s8 =	sld [smem:$0x3FAE]  }
0x2e: {  	s3 =	simm.s32 @!p0 $0x1082;
	s9 =	sld [smem:$0x3FAF]  }
0x2f: {  	lr =	sadd.s32 s0, s3;
	s0 =	sld [smem:$0x3FA6]  }
0x30: {  	s3 =	sld [smem:$0x3FA9]  }
0x31: {  	[smem:$0x3FB2] =	sst s10  }
0x32: {  	s10 =	sld [smem:$0x3FB0];
	_ =	sdelay $0x3  }
0x33: {  	p0 =	seq.s32 s10, $0x1;
	s10 =	sld [smem:$0x3FB2];
	_ =	sdelay $0x3  }
0x34: {  	[smem:$0x3FB2] =	sst s10  }
0x35: {  	s10 =	sld [smem:$0x3FB1];
	_ =	sdelay $0x3  }
0x36: {  	p1 =	seq.s32 s10, $0x1;
	s10 =	sld [smem:$0x3FB2];
	_ =	sdelay $0x3  }
0x37: {  	[smem:$0x3FB2] =	sst s10  }
0x38: {  	s10 =	sld [smem:$0x3FB3]  }
0x39: {  	_ = 	snop;
	(pc) =	sbr.ind lr, $3  }
0x3a: {  	_ = 	snop  }
0x3b: {  	_ = 	snop  }
0x3c: {  	p2 =	seq.s32 s10, $0x1;
	s10 =	sld [smem:$0x3FB2]  }
0x3d: {  	_ =	shalt  }
0x3e: {  	_ =	shalt  }
0x3f: {  	_ =	shalt  }
0x40: {  	_ =	shalt  }
0x41: {  	_ =	shalt  }
0x42: {  	_ =	shalt  }
0x43: {  	_ =	shalt  }
0x44: {  	_ =	shalt  }
0x45: {  	_ =	shalt  }
0x46: {  	_ =	shalt  }
0x47: {  	_ =	shalt  }
0x48: {  	_ =	shalt  }
0x49: {  	_ =	shalt  }
0x4a: {  	_ =	shalt  }
0x4b: {  	_ =	shalt  }
0x4c: {  	_ =	shalt  }
0x4d: {  	_ =	shalt  }
0x4e: {  	_ =	shalt  }
0x4f: {  	_ =	shalt  }
0x50: {  	_ =	shalt  }
0x51: {  	_ =	shalt  }
0x52: {  	_ =	shalt  }
0x53: {  	_ =	shalt  }
0x54: {  	_ =	shalt  }
0x55: {  	_ =	shalt  }
0x56: {  	_ =	shalt  }
0x57: {  	_ =	shalt  }
0x58: {  	_ =	shalt  }
0x59: {  	_ =	shalt  }
0x5a: {  	_ =	shalt  }
0x5b: {  	_ =	shalt  }
0x5c: {  	_ =	shalt  }
0x5d: {  	_ =	shalt  }
0x5e: {  	_ =	shalt  }
0x5f: {  	_ =	shalt  }
0x60: {  	_ =	shalt  }
0x61: {  	_ =	shalt  }
0x62: {  	_ =	shalt  }
0x63: {  	_ =	shalt  }
0x64: {  	_ =	shalt  }
0x65: {  	_ =	shalt  }
0x66: {  	_ =	shalt  }
0x67: {  	_ =	shalt  }
0x68: {  	_ =	shalt  }
0x69: {  	_ =	shalt  }
0x6a: {  	_ =	shalt  }
0x6b: {  	_ =	shalt  }
0x6c: {  	_ =	shalt  }
0x6d: {  	_ =	shalt  }
0x6e: {  	_ =	shalt  }
0x6f: {  	_ =	shalt  }
0x70: {  	_ =	shalt  }
0x71: {  	_ =	shalt  }
0x72: {  	_ =	shalt  }
0x73: {  	_ =	shalt  }
0x74: {  	_ =	shalt  }
0x75: {  	_ =	shalt  }
0x76: {  	_ =	shalt  }
0x77: {  	_ =	shalt  }
0x78: {  	_ =	shalt  }
0x79: {  	_ =	shalt  }
0x7a: {  	_ =	shalt  }
0x7b: {  	_ =	shalt  }
0x7c: {  	_ =	shalt  }
0x7d: {  	_ =	shalt  }
0x7e: {  	_ =	shalt  }
0x7f: {  	_ =	shalt  }
0x80: {  	_ =	shalt  }
0x81: {  	_ =	shalt  }
0x82: {  	_ =	shalt  }
0x83: {  	_ =	shalt  }
0x84: {  	_ =	shalt  }
0x85: {  	_ =	shalt  }
0x86: {  	_ =	shalt  }
0x87: {  	_ =	shalt  }
.Lfunc_end0:
.L_simem_size_0:
called_computation.2_lowered:
.L_overlay_start_0:
0x88: {  	s2 =	sld [smem:$0x3FD9]  }
0x89: {  	s3 =	sld [smem:$0x3FFE];
	_ =	sdelay $0x1  }
0x8a: {  	s1 =	srdreg.scid  }
0x8b: {  	s0 =	sand.u32 $0x1, s1  }
0x8c: {  	s16 =	sshll.u32 s0, $0xA;
	s2 =	sadd.s32 s3, s2  }
0x8d: {  	s2 =	sadd.s32 s2, s16  }
0x8e: {  	[smem:$0x3FBE] =	sst s2  }
0x8f: {  	_ = 	snop  }
0x90: {  	(tm) =	ssettm $0x1  }
0x91: {  	s17 =	sld [smem:$0x3FFB];
	_ =	sdelay $0x3  }
0x92: {  	_ =	strace s17  }
0x93: {  	s2 =	sld [smem:$0x3FFC];
	_ =	sdelay $0x3  }
0x94: {  	_ =	strace s2  }
0x95: {  	s2 =	sld [smem:$0x3FFD];
	_ =	sdelay $0x3  }
0x96: {  	_ =	strace s2  }
0x97: {  	_ =	strace $0x8FFFFFFF  }
0x98: {  	s18 =	sld [smem:$0x3FDB];
	_ =	sdelay $0x1  }
0x99: {  	s19 =	simm.s32 $_scs_section_size  }
0x9a: {  	s4 =	simm.s32 $_size__tile_overlayer_lowered;
	s5 =	simm.s32 $_tile_overlayer_lowered  }
0x9b: {  	s22 =	simm.s32 $0x1BFF;
	s21 =	sshll.u32 s5, $0x1;
	s2 =	sadd.s32 s19, s18  }
0x9c: {  	s6 =	simm.s32 $0x0;
	s20 =	sshll.u32 s4, $0x1;
	s4 =	sadd.s32 s21, s2  }
0x9d: {  	[timem:s6], [sflag:s22] =	dma.local [hbm:s4], s20  }
0x9e: {  	_ =	swait.ge [sflag:s22], s20  }
0x9f: {  	s3 =	ssub.s32 $0x0, s20;
	[sflag:s22] =	ssyncset.done $0x0  }
0xa0: {  	[sflag:s22] =	ssyncadd.s32 s3;
	_ =	sdelay $0x1  }
0xa1: {  	s23 =	simm.s32 $0x1B8B  }
0xa2: {  	_ =	swait.ge [sflag:s23], $0x1  }
0xa3: {  	[sflag:s23] =	ssyncset.done $0x0  }
0xa4: {  	s25 =	simm.s32 $0x1B8E;
	s24 =	sld [smem:$0x3FFE];
	[sflag:s23] =	ssyncadd.s32 $0xFFFFFFFF  }
0xa5: {  	s26 =	simm.s32 $execute0_lowered;
	[smem:$0x3FD2] =	sst s25  }
0xa6: {  	s4 =	sshll.u32 s26, $0x1;
	_ =	strace $0x8000004C;
	[dreg:$0x1] =	wrdreg $0xFFFFFFFF  }
0xa7: {  	s28 =	simm.s32 $_size_execute0_lowered;
	s2 =	sadd.s32 s2, s4;
	[dreg:$0x0] =	wrdreg $0x0  }
0xa8: {  	s4 =	sshll.u32 s28, $0x1;
	[dreg:$0x2] =	wrdreg s2  }
0xa9: {  	[dreg:$0x3] =	wrdreg s4  }
0xaa: {  	[dreg:$0x4] =	wrdreg $0xC0  }
0xab: {  	_ =	task [dreg:s6], $0x5FFFF  }
0xac: {  	[dreg:$0x1] =	wrdreg $0xFFFFFFFF  }
0xad: {  	[dreg:$0x0] =	wrdreg $0x60  }
0xae: {  	[dreg:$0x2] =	wrdreg s24  }
0xaf: {  	[dreg:$0x3] =	wrdreg $0x148C00  }
0xb0: {  	[dreg:$0x4] =	wrdreg $0x9  }
0xb1: {  	_ =	task.clear_ibuf [dreg:s6], $0x5FFFF;
	_ =	strace $0x9000004C  }
0xb2: {  	s29 =	simm.s32 $0x9;
	_ =	strace $0x8000004E  }
0xb3: {  	_ =	swait.ge [sflag:s29], $0x1  }
0xb4: {  	[sflag:s29] =	ssyncadd.s32 $0xFFFFFFFF  }
0xb5: {  	_ =	strace $0x9000004E  }
0xb6: {  	_ =	sfence  }
0xb7: {  	s30 =	sld [smem:$0x0];
	_ =	sdelay $0x2  }
0xb8: {  	s31 =	sshll.u32 s1, $0xD;
	s1 =	sshrl.u32 s1, $0x2  }
0xb9: {  	s3 =	sand.u32 $0x4000, s31;
	s1 =	sadd.s32 s1, s30  }
0xba: {  	s0 =	sor.u32 s3, s0;
	s1 =	sshll.u32 s1, $0x11  }
0xbb: {  	s0 =	sor.u32 s1, s0  }
0xbc: {  	s0 =	sadd.s32 $0x8F2B, s0  }
0xbd: {  	[sflag:s0] =	ssyncadd.remote.s32 $0x1  }
0xbe: {  	_ =	sfence.sel $0xFFFF  }
0xbf: {  	[dreg:$0x0] =	wrdreg $0xFFFFFFFF;
	(pc) =	sbr.abs _section_cstart, $3  }
0xc0: {  	[dreg:$0x1] =	wrdreg $0xFFFFFFFF  }
0xc1: {  	_ =	task.clear_ibuf [dreg:s6], $0x2FFFF;
	_ =	strace $0x9FFFFFFF  }
0xc2: {  	(tm) =	ssettm $0x7FFFFFFF  }
0xc3: {  	_ =	shalt  }
tec
execute0_lowered:
.L_overlay_start_1:
0x0: {  	(tag) =	ssettag $0x1  }
0x1: {  	s0 =	srdreg.scid;
	s7 =	rddreg [dreg:$0x0]  }
0x2: {  	s2 =	rddreg [dreg:$0x1];
	s3 =	simm.s32 $0x0;
	s14 =	simm.s32 $0x4EC0  }
0x3: {  	s15 =	simm.s32 $0x1;
	s16 =	simm.s32 $0x4CC8;
	s17 =	simm.s32 $0xCBC0  }
0x4: {  	s18 =	simm.s32 $0x0;
	s6 =	sand.u32 $0x1, s0;
	s0 =	stileid.u32  }
0x5: {  	[smem:$0x7FF] =	sst s3;
	s1 =	sshll.u32 s6, $0x4;
	s8 =	smul.u32 $0x9C40, s0  }
0x6: {  	s5 =	smul.u32 $0x9C400, s6;
	s6 =	ssub.s32 $0x2, s6;
	s1 =	sor.u32 s0, s1  }
0x7: {  	s11 =	sshll.u32 s0, $0x6;
	s31 =	sshrl.u32 s6, $0x1;
	s4 =	smul.u32 $0x4EC, s1  }
0x8: {  	s1 =	rddreg [dreg:$0x2];
	_ =	strace $0x8000004D;
	s10 =	sadd.s32 s8, s5  }
0x9: {  	s5 =	sadd.s32 $0xBE00, s7;
	s12 =	ssub.s32 s6, s31;
	s13 =	sadd.s32 s8, s2  }
0xa: {  	s6 =	sor.u32 $0x1C02, s11;
	s10 =	sshrl.u32 s10, $0x3;
	s11 =	sshrl.u32 s13, $0x3  }
0xb: {  	s13 =	simm.s32 $0x1F4;
	s9 =	sadd.s32 s4, s7;
	s4 =	sadd.s32 $0x20000, s7  }
0xc: {  	s10 =	sadd.s32 s10, s7;
	s7 =	sadd.s32 $0x16200, s9;
	s8 =	sadd.s32 $0x2000, s9  }
0xd: {  	s9 =	sadd.s32 $0x33A00, s10;
	s10 =	smax.u32 s12, $0x1;
	s12 =	simm.s32 $0x2  }
.LBB2_1:
0xe: {  	[spmem:s11], [sflag:s6] =	dma.local [hbm:s5], $0x1388  }
0xf: {  	_ =	swait.ge [sflag:s12], $0x1388  }
0x10: {  	[sflag:s12] =	ssyncset.done $0x0  }
0x11: {  	[sflag:s12] =	ssyncadd.s32 $0xFFFFEC78  }
0x12: {  	[tilespmem:s3], [sflag:$0x2] =	stream.linear.gather [hbm4b:s7+s3], $0x2760, $0x38;
	[tilespmem:$0x1E500] =	vst v63  }
0x13: {  	_ =	swait.ge [sflag:s12], $0x2760  }
0x14: {  	[sflag:s12] =	ssyncset.done $0x0  }
0x15: {  	s19 =	simm.s32 $0x2760;
	s20 =	sand.u32 $0x1, s3;
	[sflag:s12] =	ssyncadd.s32 $0xFFFFD8A0  }
0x16: {  	[tilespmem:s19], [sflag:$0x2] =	stream.linear.gather [hbm4b:s8+s3], $0x2760, $0x38;
	[tilespmem:$0x1E500] =	vst v63  }
0x17: {  	s21 =	sxor.u32 $0x1, s20;
	_ =	swait.ge [sflag:s12], $0x2760  }
0x18: {  	s21 =	smul.u32 $0x1F400, s21;
	[sflag:s12] =	ssyncset.done $0x0  }
0x19: {  	[sflag:s12] =	ssyncadd.s32 $0xFFFFD8A0  }
0x1a: {  	s22 =	simm.s32 $0x1F8;
	s21 =	sshrl.u32 s21, $0x2;
	[bflag:$0x0] =	sbarrier.arrive $0xFFFF  }
0x1b: {  	[tilespmem:s14], [sflag:$0x1] =	stream.indirect.gather [hbm4b:s4+s13], $0x40, s3, s13, $0xb8;
	[tilespmem:$0x1E500] =	vst v63  }
0x1c: {  	s30 =	simm.s32 $0x1;
	s20 =	smul.u32 $0x1F400, s20;
	s21 =	sadd.s32 $0x4EC0, s21  }
0x1d: {  	[tilespmem:s21], [sflag:$0x1] =	stream.indirect.gather [hbm4b:s4+s13], $0x40, s22, s13, $0xb8;
	[tilespmem:$0x1E500] =	vst v63  }
0x1e: {  	s20 =	sshrl.u32 s20, $0x2;
	s21 =	sand.u32 $0x1, s30;
	_ =	swait.ge [sflag:s15], $0x7D00  }
0x1f: {  	s31 =	sxor.u32 $0x1, s21;
	s21 =	smul.u32 $0x1F400, s21;
	[sflag:s15] =	ssyncset.done $0x0  }
0x20: {  	s20 =	sadd.s32 $0x4EC0, s20;
	s23 =	smul.u32 $0x1F400, s31;
	[sflag:s15] =	ssyncadd.s32 $0xFFFF8300  }
0x21: {  	[spmem:s2] =	stream.indirect.scatter.add.f32 [tilespmem:s20], [sflag:$0x2], $0x40, s19, s13, $0xb8;
	[tilespmem:$0x1E500] =	vst v63  }
0x22: {  	s22 =	simm.s32 $0x2;
	s20 =	simm.s32 $0x3F0;
	s19 =	simm.s32 $0x2958  }
.LBB2_2:
0x23: {  	s23 =	sshrl.u32 s23, $0x2;
	s21 =	sshrl.u32 s21, $0x2  }
0x24: {  	_ =	swait.ge [sflag:s12], $0x7D00;
	s24 =	smov.u32 s22;
	s25 =	smov.u32 s19  }
0x25: {  	s26 =	sadd.s32 $0x1, s22;
	s23 =	sadd.s32 $0x4EC0, s23;
	[sflag:s12] =	ssyncset.done $0x0  }
0x26: {  	p0 =	sne.s32 s22, $0x12;
	[sflag:s12] =	ssyncadd.s32 $0xFFFF8300  }
0x27: {  	[tilespmem:s23], [sflag:$0x1] =	stream.indirect.gather [hbm4b:s4+s13], $0x40, s20, s13, $0xb8;
	[tilespmem:$0x1E500] =	vst v63  }
.Ltmp0:
0x28: {  	s19 =	sadd.s32 $0x1F8, s19;
	s20 =	sadd.s32 $0x1F8, s20;
	(pc) =	sbr.rel @p0 .LBB2_2-.Ltmp0, $4  }
0x29: {  	s22 =	sand.u32 $0x1, s24;
	s24 =	sadd.s32 $0x4EC0, s21;
	_ =	swait.ge [sflag:s15], $0x7D00  }
0x2a: {  	s21 =	smul.u32 $0x1F400, s22;
	s23 =	sxor.u32 $0x1, s22;
	[sflag:s15] =	ssyncset.done $0x0  }
0x2b: {  	s22 =	smov.u32 s26;
	s23 =	smul.u32 $0x1F400, s23;
	[sflag:s15] =	ssyncadd.s32 $0xFFFF8300  }
0x2c: {  	[spmem:s2] =	stream.indirect.scatter.add.f32 [tilespmem:s24], [sflag:$0x2], $0x40, s25, s13, $0xb8;
	[tilespmem:$0x1E500] =	vst v63  }
0x2d: {  	_ =	swait.ge [sflag:s12], $0x7D00  }
0x2e: {  	s22 =	sshrl.u32 s23, $0x2;
	[sflag:s12] =	ssyncset.done $0x0  }
0x2f: {  	s22 =	sadd.s32 $0x4EC0, s22;
	[sflag:s12] =	ssyncadd.s32 $0xFFFF8300  }
0x30: {  	[tilespmem:s22], [sflag:$0x1] =	stream.indirect.gather [hbm4b:s4+s13], $0x40, s20, s13, $0xb8;
	[tilespmem:$0x1E500] =	vst v63  }
0x31: {  	_ =	swait.ge [sflag:s15], $0x7D00  }
0x32: {  	s31 =	sshrl.u32 s21, $0x2;
	[sflag:s15] =	ssyncset.done $0x0  }
0x33: {  	s20 =	sadd.s32 $0x4EC0, s31;
	[sflag:s15] =	ssyncadd.s32 $0xFFFF8300  }
0x34: {  	[spmem:s2] =	stream.indirect.scatter.add.f32 [tilespmem:s20], [sflag:$0x2], $0x40, s19, s13, $0xb8;
	[tilespmem:$0x1E500] =	vst v63  }
0x35: {  	_ =	swait.ge [sflag:s12], $0x7D00  }
0x36: {  	[sflag:s12] =	ssyncset.done $0x0  }
0x37: {  	[sflag:s12] =	ssyncadd.s32 $0xFFFF8300  }
0x38: {  	_ =	swait.ge [sflag:s15], $0x7D00  }
0x39: {  	[sflag:s15] =	ssyncset.done $0x0  }
0x3a: {  	[sflag:s15] =	ssyncadd.s32 $0xFFFF8300  }
0x3b: {  	[spmem:s2] =	stream.indirect.scatter.add.f32 [tilespmem:s17], [sflag:$0x2], $0x40, s16, s13, $0xb8;
	[tilespmem:$0x1E500] =	vst v63  }
0x3c: {  	_ =	swait.ge [sflag:s12], $0x7D00  }
0x3d: {  	s18 =	sadd.s32 $0x1, s18;
	[sflag:s12] =	ssyncset.done $0x0  }
0x3e: {  	p0 =	sne.s32 s18, s10;
	[sflag:s12] =	ssyncadd.s32 $0xFFFF8300  }
.Ltmp1:
0x3f: {  	[bflag:$0x0] =	sbarrier.arrive $0xFFFF;
	(pc) =	sbr.rel @p0 .LBB2_1-.Ltmp1, $4  }
0x40: {  	[hbm:s9], [sflag:s6] =	dma.local [spmem:s11], $0x1388  }
0x41: {  	_ =	swait.ge [sflag:s12], $0x1388  }
0x42: {  	[sflag:s12] =	ssyncset.done $0x0  }
0x43: {  	[sflag:s12] =	ssyncadd.s32 $0xFFFFEC78  }
0x44: {  	_ =	sfence.sel $0x180000  }
0x45: {  	[bflag:$0x0] =	sbarrier.arrive $0xFFFF  }
0x46: {  	p0 =	sne.s32 s0, $0x0;
	_ =	strace $0x9000004D  }
0x47: {  	s0 =	sadd.s32 @!p0 $0x100000, s1;
	[bflag:$0x2] =	sbarrier.arrive $0xFFFF  }
0x48: {  	[sflag:s0] =	ssyncadd.tile.s32 @!p0 $0x1;
	_ =	shalt  }
.Lfunc_end2:
_tile_overlayer_lowered:
.L_overlay_start_2:
0x49: {  	(tag) =	ssettag $0x2  }
0x4a: {  	s0 =	rddreg [dreg:$0x0];
	s2 =	stileid.u32  }
0x4b: {  	s1 =	rddreg [dreg:$0x1];
	p0 =	sne.s32 s2, $0x0  }
0x4c: {  	s3 =	rddreg [dreg:$0x2];
	[bflag:$0x3] =	sbarrier.arrive $0xFFFF;
	s2 =	simm.s32 @!p0 $0x1C02  }
0x4d: {  	[timem:s3], [sflag:s2] =	dma.local @!p0 [hbm:s0], s1  }
0x4e: {  	s0 =	simm.s32 @!p0 $0x2  }
0x4f: {  	_ =	swait.ge @!p0 [sflag:s0], s1  }
0x50: {  	s1 =	ssub.s32 @!p0 $0x0, s1;
	[sflag:s0] =	ssyncset.done @!p0 $0x0  }
0x51: {  	[sflag:s0] =	ssyncadd.s32 @!p0 s1  }
0x52: {  	[bflag:$0x3] =	sbarrier.arrive $0xFFFF  }
0x53: {  	_ =	shalt  }

// kernel: kernel.19.cloned.1.call-start
scs
__scs_entry_jumppad:
0x0: {  	(pc) =	sbr.rel $0x88, $3  }
0x1: {  	(tag) =	ssettag $0x0;
	lr =	simm.s32 $0x1  }
0x2: {  	[smem:$0x3F97] =	sst lr;
	_ =	strace $0xD0000000  }
0x3: {  	_ = 	snop  }
0x4: {  	_ = 	snop  }
0x5: {  	_ = 	snop  }
0x6: {  	_ = 	snop  }
0x7: {  	_ = 	snop  }
__scs_overlays_trampoline_lowered:
0x8: {  	[smem:$0x3FA6] =	sst s0  }
0x9: {  	[smem:$0x3FA7] =	sst s1  }
0xa: {  	[smem:$0x3FA8] =	sst s2  }
0xb: {  	[smem:$0x3FA9] =	sst s3  }
0xc: {  	[smem:$0x3FAA] =	sst s4  }
0xd: {  	[smem:$0x3FAB] =	sst s5  }
0xe: {  	[smem:$0x3FAC] =	sst s6  }
0xf: {  	[smem:$0x3FAD] =	sst s7  }
0x10: {  	[smem:$0x3FAE] =	sst s8  }
0x11: {  	[smem:$0x3FAF] =	sst s9;
	s0 =	simm.s32 @!p0 $0x0  }
0x12: {  	s1 =	sld [smem:$0x3F95];
	s0 =	simm.s32 @p0 $0x1  }
0x13: {  	[smem:$0x3FB0] =	sst s0;
	s0 =	simm.s32 @!p1 $0x0  }
0x14: {  	s2 =	sld [smem:$0x3F94];
	s0 =	simm.s32 @p1 $0x1  }
0x15: {  	[smem:$0x3FB1] =	sst s0;
	s0 =	simm.s32 @!p2 $0x0  }
0x16: {  	s3 =	sld [smem:$0x3FDB];
	s0 =	simm.s32 @p2 $0x1  }
0x17: {  	s4 =	simm.s32 $0x1BF5;
	[smem:$0x3FB3] =	sst s0  }
0x18: {  	s0 =	sld [smem:$0x3F96];
	_ =	swait.ge [sflag:s4], $0x0  }
0x19: {  	s7 =	sld [smem:$0x3F97]  }
0x1a: {  	s8 =	sadd.s32 $0xFFFFE003, lr  }
0x1b: {  	s9 =	sadd.s32 $0xFFFFFEF7, lr;
	s5 =	simm.s32 $0xFFFFFFFF;
	p2 =	slt.u32 s8, $0xFFFFF086  }
0x1c: {  	p1 =	slt.u32 s9, $0xF7A;
	s5 =	simm.s32 @!p2 $0x0  }
0x1d: {  	s5 =	simm.s32 @p1 $0x1;
	p0 =	seq.s32 s7, s2  }
0x1e: {  	s7 =	smul.u32 @!p0 $0xF7A, s2;
	p2 =	seq.s32 @!p0 s5, $0x0  }
0x1f: {  	s9 =	smul.u32 $0xF7A, s1;
	s8 =	simm.s32 @!p0 $0x1BF5;
	p2 =	por !p2, p0  }
0x20: {  	[sflag:s8] =	ssyncset.s32 @!p0 $0xFFFFF086;
	s6 =	sadd.s32 @!p0 s3, s7;
	s7 =	simm.s32 @!p0 $0x108  }
0x21: {  	s3 =	sadd.s32 s3, s9;
	s6 =	sadd.s32 @!p0 $0x88, s6;
	s7 =	simm.s32 @p2 $0x1082  }
0x22: {  	[simem:s7], [sflag:s8] =	dma.local @!p0 [hbm:s6], $0xF7A  }
0x23: {  	s9 =	sor.u32 $0xD0000000, s2;
	s6 =	simm.s32 $0x108;
	_ =	swait.ge @!p0 [sflag:s8], $0x0  }
0x24: {  	s3 =	sadd.s32 $0x88, s3;
	s6 =	simm.s32 @!p1 $0x1082;
	[sflag:s4] =	ssyncset.s32 $0xFFFFF086  }
0x25: {  	[simem:s6], [sflag:s4] =	dma.local [hbm:s3], $0xF7A  }
0x26: {  	[smem:$0x3F97] =	sst s1;
	(tag) =	ssettag s2;
	_ =	strace s9  }
0x27: {  	s1 =	sld [smem:$0x3FA7]  }
0x28: {  	s2 =	sld [smem:$0x3FA8]  }
0x29: {  	s4 =	sld [smem:$0x3FAA]  }
0x2a: {  	p0 =	seq.s32 s5, $0x0;
	s5 =	sld [smem:$0x3FAB]  }
0x2b: {  	s6 =	sld [smem:$0x3FAC]  }
0x2c: {  	s7 =	sld [smem:$0x3FAD]  }
0x2d: {  	s3 =	simm.s32 $0x108;
	s8 =	sld [smem:$0x3FAE]  }
0x2e: {  	s3 =	simm.s32 @!p0 $0x1082;
	s9 =	sld [smem:$0x3FAF]  }
0x2f: {  	lr =	sadd.s32 s0, s3;
	s0 =	sld [smem:$0x3FA6]  }
0x30: {  	s3 =	sld [smem:$0x3FA9]  }
0x31: {  	[smem:$0x3FB2] =	sst s10  }
0x32: {  	s10 =	sld [smem:$0x3FB0];
	_ =	sdelay $0x3  }
0x33: {  	p0 =	seq.s32 s10, $0x1;
	s10 =	sld [smem:$0x3FB2];
	_ =	sdelay $0x3  }
0x34: {  	[smem:$0x3FB2] =	sst s10  }
0x35: {  	s10 =	sld [smem:$0x3FB1];
	_ =	sdelay $0x3  }
0x36: {  	p1 =	seq.s32 s10, $0x1;
	s10 =	sld [smem:$0x3FB2];
	_ =	sdelay $0x3  }
0x37: {  	[smem:$0x3FB2] =	sst s10  }
0x38: {  	s10 =	sld [smem:$0x3FB3]  }
0x39: {  	_ = 	snop;
	(pc) =	sbr.ind lr, $3  }
0x3a: {  	_ = 	snop  }
0x3b: {  	_ = 	snop  }
0x3c: {  	p2 =	seq.s32 s10, $0x1;
	s10 =	sld [smem:$0x3FB2]  }
0x3d: {  	_ =	shalt  }
0x3e: {  	_ =	shalt  }
0x3f: {  	_ =	shalt  }
0x40: {  	_ =	shalt  }
0x41: {  	_ =	shalt  }
0x42: {  	_ =	shalt  }
0x43: {  	_ =	shalt  }
0x44: {  	_ =	shalt  }
0x45: {  	_ =	shalt  }
0x46: {  	_ =	shalt  }
0x47: {  	_ =	shalt  }
0x48: {  	_ =	shalt  }
0x49: {  	_ =	shalt  }
0x4a: {  	_ =	shalt  }
0x4b: {  	_ =	shalt  }
0x4c: {  	_ =	shalt  }
0x4d: {  	_ =	shalt  }
0x4e: {  	_ =	shalt  }
0x4f: {  	_ =	shalt  }
0x50: {  	_ =	shalt  }
0x51: {  	_ =	shalt  }
0x52: {  	_ =	shalt  }
0x53: {  	_ =	shalt  }
0x54: {  	_ =	shalt  }
0x55: {  	_ =	shalt  }
0x56: {  	_ =	shalt  }
0x57: {  	_ =	shalt  }
0x58: {  	_ =	shalt  }
0x59: {  	_ =	shalt  }
0x5a: {  	_ =	shalt  }
0x5b: {  	_ =	shalt  }
0x5c: {  	_ =	shalt  }
0x5d: {  	_ =	shalt  }
0x5e: {  	_ =	shalt  }
0x5f: {  	_ =	shalt  }
0x60: {  	_ =	shalt  }
0x61: {  	_ =	shalt  }
0x62: {  	_ =	shalt  }
0x63: {  	_ =	shalt  }
0x64: {  	_ =	shalt  }
0x65: {  	_ =	shalt  }
0x66: {  	_ =	shalt  }
0x67: {  	_ =	shalt  }
0x68: {  	_ =	shalt  }
0x69: {  	_ =	shalt  }
0x6a: {  	_ =	shalt  }
0x6b: {  	_ =	shalt  }
0x6c: {  	_ =	shalt  }
0x6d: {  	_ =	shalt  }
0x6e: {  	_ =	shalt  }
0x6f: {  	_ =	shalt  }
0x70: {  	_ =	shalt  }
0x71: {  	_ =	shalt  }
0x72: {  	_ =	shalt  }
0x73: {  	_ =	shalt  }
0x74: {  	_ =	shalt  }
0x75: {  	_ =	shalt  }
0x76: {  	_ =	shalt  }
0x77: {  	_ =	shalt  }
0x78: {  	_ =	shalt  }
0x79: {  	_ =	shalt  }
0x7a: {  	_ =	shalt  }
0x7b: {  	_ =	shalt  }
0x7c: {  	_ =	shalt  }
0x7d: {  	_ =	shalt  }
0x7e: {  	_ =	shalt  }
0x7f: {  	_ =	shalt  }
0x80: {  	_ =	shalt  }
0x81: {  	_ =	shalt  }
0x82: {  	_ =	shalt  }
0x83: {  	_ =	shalt  }
0x84: {  	_ =	shalt  }
0x85: {  	_ =	shalt  }
0x86: {  	_ =	shalt  }
0x87: {  	_ =	shalt  }
.Lfunc_end0:
.L_simem_size_0:
called_computation.3_lowered:
.L_overlay_start_0:
0x88: {  	s2 =	sld [smem:$0x3FD9]  }
0x89: {  	s3 =	sld [smem:$0x3FFE];
	_ =	sdelay $0x1  }
0x8a: {  	s1 =	srdreg.scid  }
0x8b: {  	s0 =	sand.u32 $0x1, s1  }
0x8c: {  	s16 =	sshll.u32 s0, $0xA;
	s2 =	sadd.s32 s3, s2  }
0x8d: {  	s2 =	sadd.s32 s2, s16  }
0x8e: {  	[smem:$0x3FBE] =	sst s2  }
0x8f: {  	_ = 	snop  }
0x90: {  	(tm) =	ssettm $0x1  }
0x91: {  	s17 =	sld [smem:$0x3FFB];
	_ =	sdelay $0x3  }
0x92: {  	_ =	strace s17  }
0x93: {  	s2 =	sld [smem:$0x3FFC];
	_ =	sdelay $0x3  }
0x94: {  	_ =	strace s2  }
0x95: {  	s2 =	sld [smem:$0x3FFD];
	_ =	sdelay $0x3  }
0x96: {  	_ =	strace s2  }
0x97: {  	_ =	strace $0x8FFFFFFF  }
0x98: {  	s18 =	sld [smem:$0x3FDB];
	_ =	sdelay $0x1  }
0x99: {  	s19 =	simm.s32 $_scs_section_size  }
0x9a: {  	s4 =	simm.s32 $_size__tile_overlayer_lowered;
	s5 =	simm.s32 $_tile_overlayer_lowered  }
0x9b: {  	s22 =	simm.s32 $0x1BFF;
	s21 =	sshll.u32 s5, $0x1;
	s2 =	sadd.s32 s19, s18  }
0x9c: {  	s6 =	simm.s32 $0x0;
	s20 =	sshll.u32 s4, $0x1;
	s4 =	sadd.s32 s21, s2  }
0x9d: {  	[timem:s6], [sflag:s22] =	dma.local [hbm:s4], s20  }
0x9e: {  	_ =	swait.ge [sflag:s22], s20  }
0x9f: {  	s3 =	ssub.s32 $0x0, s20;
	[sflag:s22] =	ssyncset.done $0x0  }
0xa0: {  	[sflag:s22] =	ssyncadd.s32 s3;
	_ =	sdelay $0x1  }
0xa1: {  	s23 =	simm.s32 $0x1B8B  }
0xa2: {  	_ =	swait.ge [sflag:s23], $0x1  }
0xa3: {  	[sflag:s23] =	ssyncset.done $0x0  }
0xa4: {  	s25 =	simm.s32 $0x1B8E;
	s24 =	sld [smem:$0x3FFE];
	[sflag:s23] =	ssyncadd.s32 $0xFFFFFFFF  }
0xa5: {  	s26 =	simm.s32 $execute0_lowered;
	[smem:$0x3FD2] =	sst s25  }
0xa6: {  	s4 =	sshll.u32 s26, $0x1;
	_ =	strace $0x8000004F;
	[dreg:$0x1] =	wrdreg $0xFFFFFFFF  }
0xa7: {  	s28 =	simm.s32 $_size_execute0_lowered;
	s2 =	sadd.s32 s2, s4;
	[dreg:$0x0] =	wrdreg $0x0  }
0xa8: {  	s4 =	sshll.u32 s28, $0x1;
	[dreg:$0x2] =	wrdreg s2  }
0xa9: {  	[dreg:$0x3] =	wrdreg s4  }
0xaa: {  	[dreg:$0x4] =	wrdreg $0xC0  }
0xab: {  	_ =	task [dreg:s6], $0x5FFFF  }
0xac: {  	[dreg:$0x1] =	wrdreg $0xFFFFFFFF  }
0xad: {  	[dreg:$0x0] =	wrdreg $0x60  }
0xae: {  	[dreg:$0x2] =	wrdreg s24  }
0xaf: {  	[dreg:$0x3] =	wrdreg $0x148C00  }
0xb0: {  	[dreg:$0x4] =	wrdreg $0x9  }
0xb1: {  	_ =	task.clear_ibuf [dreg:s6], $0x5FFFF;
	_ =	strace $0x9000004F  }
0xb2: {  	s29 =	simm.s32 $0x9;
	_ =	strace $0x80000051  }
0xb3: {  	_ =	swait.ge [sflag:s29], $0x1  }
0xb4: {  	[sflag:s29] =	ssyncadd.s32 $0xFFFFFFFF  }
0xb5: {  	_ =	strace $0x90000051  }
0xb6: {  	_ =	sfence  }
0xb7: {  	s30 =	sld [smem:$0x0];
	_ =	sdelay $0x2  }
0xb8: {  	s31 =	sshll.u32 s1, $0xD;
	s1 =	sshrl.u32 s1, $0x2  }
0xb9: {  	s3 =	sand.u32 $0x4000, s31;
	s1 =	sadd.s32 s1, s30  }
0xba: {  	s0 =	sor.u32 s3, s0;
	s1 =	sshll.u32 s1, $0x11  }
0xbb: {  	s0 =	sor.u32 s1, s0  }
0xbc: {  	s0 =	sadd.s32 $0x8F2B, s0  }
0xbd: {  	[sflag:s0] =	ssyncadd.remote.s32 $0x1  }
0xbe: {  	_ =	sfence.sel $0xFFFF  }
0xbf: {  	[dreg:$0x0] =	wrdreg $0xFFFFFFFF;
	(pc) =	sbr.abs _section_cstart, $3  }
0xc0: {  	[dreg:$0x1] =	wrdreg $0xFFFFFFFF  }
0xc1: {  	_ =	task.clear_ibuf [dreg:s6], $0x2FFFF;
	_ =	strace $0x9FFFFFFF  }
0xc2: {  	(tm) =	ssettm $0x7FFFFFFF  }
0xc3: {  	_ =	shalt  }
tec
execute0_lowered:
.L_overlay_start_1:
0x0: {  	(tag) =	ssettag $0x1  }
0x1: {  	s0 =	srdreg.scid;
	s7 =	rddreg [dreg:$0x0]  }
0x2: {  	s2 =	rddreg [dreg:$0x1];
	s3 =	simm.s32 $0x0;
	s14 =	simm.s32 $0x4EC0  }
0x3: {  	s15 =	simm.s32 $0x1;
	s16 =	simm.s32 $0x4CC8;
	s17 =	simm.s32 $0xCBC0  }
0x4: {  	s18 =	simm.s32 $0x0;
	s6 =	sand.u32 $0x1, s0;
	s0 =	stileid.u32  }
0x5: {  	[smem:$0x7FF] =	sst s3;
	s1 =	sshll.u32 s6, $0x4;
	s8 =	smul.u32 $0x9C40, s0  }
0x6: {  	s5 =	smul.u32 $0x9C400, s6;
	s6 =	ssub.s32 $0x2, s6;
	s1 =	sor.u32 s0, s1  }
0x7: {  	s11 =	sshll.u32 s0, $0x6;
	s31 =	sshrl.u32 s6, $0x1;
	s4 =	smul.u32 $0x4EC, s1  }
0x8: {  	s1 =	rddreg [dreg:$0x2];
	_ =	strace $0x80000050;
	s10 =	sadd.s32 s8, s5  }
0x9: {  	s5 =	sadd.s32 $0xBE00, s7;
	s12 =	ssub.s32 s6, s31;
	s13 =	sadd.s32 s8, s2  }
0xa: {  	s6 =	sor.u32 $0x1C02, s11;
	s10 =	sshrl.u32 s10, $0x3;
	s11 =	sshrl.u32 s13, $0x3  }
0xb: {  	s13 =	simm.s32 $0x1F4;
	s9 =	sadd.s32 s4, s7;
	s4 =	sadd.s32 $0x20000, s7  }
0xc: {  	s10 =	sadd.s32 s10, s7;
	s7 =	sadd.s32 $0x16200, s9;
	s8 =	sadd.s32 $0x2000, s9  }
0xd: {  	s9 =	sadd.s32 $0x33A00, s10;
	s10 =	smax.u32 s12, $0x1;
	s12 =	simm.s32 $0x2  }
.LBB2_1:
0xe: {  	[spmem:s11], [sflag:s6] =	dma.local [hbm:s5], $0x1388  }
0xf: {  	_ =	swait.ge [sflag:s12], $0x1388  }
0x10: {  	[sflag:s12] =	ssyncset.done $0x0  }
0x11: {  	[sflag:s12] =	ssyncadd.s32 $0xFFFFEC78  }
0x12: {  	[tilespmem:s3], [sflag:$0x2] =	stream.linear.gather [hbm4b:s7+s3], $0x2760, $0x38;
	[tilespmem:$0x1E500] =	vst v63  }
0x13: {  	_ =	swait.ge [sflag:s12], $0x2760  }
0x14: {  	[sflag:s12] =	ssyncset.done $0x0  }
0x15: {  	s19 =	simm.s32 $0x2760;
	s20 =	sand.u32 $0x1, s3;
	[sflag:s12] =	ssyncadd.s32 $0xFFFFD8A0  }
0x16: {  	[tilespmem:s19], [sflag:$0x2] =	stream.linear.gather [hbm4b:s8+s3], $0x2760, $0x38;
	[tilespmem:$0x1E500] =	vst v63  }
0x17: {  	s21 =	sxor.u32 $0x1, s20;
	_ =	swait.ge [sflag:s12], $0x2760  }
0x18: {  	s21 =	smul.u32 $0x1F400, s21;
	[sflag:s12] =	ssyncset.done $0x0  }
0x19: {  	[sflag:s12] =	ssyncadd.s32 $0xFFFFD8A0  }
0x1a: {  	s22 =	simm.s32 $0x1F8;
	s21 =	sshrl.u32 s21, $0x2;
	[bflag:$0x0] =	sbarrier.arrive $0xFFFF  }
0x1b: {  	[tilespmem:s14], [sflag:$0x1] =	stream.indirect.gather [hbm4b:s4+s13], $0x40, s3, s13, $0xb8;
	[tilespmem:$0x1E500] =	vst v63  }
0x1c: {  	s30 =	simm.s32 $0x1;
	s20 =	smul.u32 $0x1F400, s20;
	s21 =	sadd.s32 $0x4EC0, s21  }
0x1d: {  	[tilespmem:s21], [sflag:$0x1] =	stream.indirect.gather [hbm4b:s4+s13], $0x40, s22, s13, $0xb8;
	[tilespmem:$0x1E500] =	vst v63  }
0x1e: {  	s20 =	sshrl.u32 s20, $0x2;
	s21 =	sand.u32 $0x1, s30;
	_ =	swait.ge [sflag:s15], $0x7D00  }
0x1f: {  	s31 =	sxor.u32 $0x1, s21;
	s21 =	smul.u32 $0x1F400, s21;
	[sflag:s15] =	ssyncset.done $0x0  }
0x20: {  	s20 =	sadd.s32 $0x4EC0, s20;
	s23 =	smul.u32 $0x1F400, s31;
	[sflag:s15] =	ssyncadd.s32 $0xFFFF8300  }
0x21: {  	[spmem:s2] =	stream.indirect.scatter.add.f32 [tilespmem:s20], [sflag:$0x2], $0x40, s19, s13, $0xb8;
	[tilespmem:$0x1E500] =	vst v63  }
0x22: {  	s22 =	simm.s32 $0x2;
	s20 =	simm.s32 $0x3F0;
	s19 =	simm.s32 $0x2958  }
.LBB2_2:
0x23: {  	s23 =	sshrl.u32 s23, $0x2;
	s21 =	sshrl.u32 s21, $0x2  }
0x24: {  	_ =	swait.ge [sflag:s12], $0x7D00;
	s24 =	smov.u32 s22;
	s25 =	smov.u32 s19  }
0x25: {  	s26 =	sadd.s32 $0x1, s22;
	s23 =	sadd.s32 $0x4EC0, s23;
	[sflag:s12] =	ssyncset.done $0x0  }
0x26: {  	p0 =	sne.s32 s22, $0x12;
	[sflag:s12] =	ssyncadd.s32 $0xFFFF8300  }
0x27: {  	[tilespmem:s23], [sflag:$0x1] =	stream.indirect.gather [hbm4b:s4+s13], $0x40, s20, s13, $0xb8;
	[tilespmem:$0x1E500] =	vst v63  }
.Ltmp0:
0x28: {  	s19 =	sadd.s32 $0x1F8, s19;
	s20 =	sadd.s32 $0x1F8, s20;
	(pc) =	sbr.rel @p0 .LBB2_2-.Ltmp0, $4  }
0x29: {  	s22 =	sand.u32 $0x1, s24;
	s24 =	sadd.s32 $0x4EC0, s21;
	_ =	swait.ge [sflag:s15], $0x7D00  }
0x2a: {  	s21 =	smul.u32 $0x1F400, s22;
	s23 =	sxor.u32 $0x1, s22;
	[sflag:s15] =	ssyncset.done $0x0  }
0x2b: {  	s22 =	smov.u32 s26;
	s23 =	smul.u32 $0x1F400, s23;
	[sflag:s15] =	ssyncadd.s32 $0xFFFF8300  }
0x2c: {  	[spmem:s2] =	stream.indirect.scatter.add.f32 [tilespmem:s24], [sflag:$0x2], $0x40, s25, s13, $0xb8;
	[tilespmem:$0x1E500] =	vst v63  }
0x2d: {  	_ =	swait.ge [sflag:s12], $0x7D00  }
0x2e: {  	s22 =	sshrl.u32 s23, $0x2;
	[sflag:s12] =	ssyncset.done $0x0  }
0x2f: {  	s22 =	sadd.s32 $0x4EC0, s22;
	[sflag:s12] =	ssyncadd.s32 $0xFFFF8300  }
0x30: {  	[tilespmem:s22], [sflag:$0x1] =	stream.indirect.gather [hbm4b:s4+s13], $0x40, s20, s13, $0xb8;
	[tilespmem:$0x1E500] =	vst v63  }
0x31: {  	_ =	swait.ge [sflag:s15], $0x7D00  }
0x32: {  	s31 =	sshrl.u32 s21, $0x2;
	[sflag:s15] =	ssyncset.done $0x0  }
0x33: {  	s20 =	sadd.s32 $0x4EC0, s31;
	[sflag:s15] =	ssyncadd.s32 $0xFFFF8300  }
0x34: {  	[spmem:s2] =	stream.indirect.scatter.add.f32 [tilespmem:s20], [sflag:$0x2], $0x40, s19, s13, $0xb8;
	[tilespmem:$0x1E500] =	vst v63  }
0x35: {  	_ =	swait.ge [sflag:s12], $0x7D00  }
0x36: {  	[sflag:s12] =	ssyncset.done $0x0  }
0x37: {  	[sflag:s12] =	ssyncadd.s32 $0xFFFF8300  }
0x38: {  	_ =	swait.ge [sflag:s15], $0x7D00  }
0x39: {  	[sflag:s15] =	ssyncset.done $0x0  }
0x3a: {  	[sflag:s15] =	ssyncadd.s32 $0xFFFF8300  }
0x3b: {  	[spmem:s2] =	stream.indirect.scatter.add.f32 [tilespmem:s17], [sflag:$0x2], $0x40, s16, s13, $0xb8;
	[tilespmem:$0x1E500] =	vst v63  }
0x3c: {  	_ =	swait.ge [sflag:s12], $0x7D00  }
0x3d: {  	s18 =	sadd.s32 $0x1, s18;
	[sflag:s12] =	ssyncset.done $0x0  }
0x3e: {  	p0 =	sne.s32 s18, s10;
	[sflag:s12] =	ssyncadd.s32 $0xFFFF8300  }
.Ltmp1:
0x3f: {  	[bflag:$0x0] =	sbarrier.arrive $0xFFFF;
	(pc) =	sbr.rel @p0 .LBB2_1-.Ltmp1, $4  }
0x40: {  	[hbm:s9], [sflag:s6] =	dma.local [spmem:s11], $0x1388  }
0x41: {  	_ =	swait.ge [sflag:s12], $0x1388  }
0x42: {  	[sflag:s12] =	ssyncset.done $0x0  }
0x43: {  	[sflag:s12] =	ssyncadd.s32 $0xFFFFEC78  }
0x44: {  	_ =	sfence.sel $0x180000  }
0x45: {  	[bflag:$0x0] =	sbarrier.arrive $0xFFFF  }
0x46: {  	p0 =	sne.s32 s0, $0x0;
	_ =	strace $0x90000050  }
0x47: {  	s0 =	sadd.s32 @!p0 $0x100000, s1;
	[bflag:$0x2] =	sbarrier.arrive $0xFFFF  }
0x48: {  	[sflag:s0] =	ssyncadd.tile.s32 @!p0 $0x1;
	_ =	shalt  }
.Lfunc_end2:
_tile_overlayer_lowered:
.L_overlay_start_2:
0x49: {  	(tag) =	ssettag $0x2  }
0x4a: {  	s0 =	rddreg [dreg:$0x0];
	s2 =	stileid.u32  }
0x4b: {  	s1 =	rddreg [dreg:$0x1];
	p0 =	sne.s32 s2, $0x0  }
0x4c: {  	s3 =	rddreg [dreg:$0x2];
	[bflag:$0x3] =	sbarrier.arrive $0xFFFF;
	s2 =	simm.s32 @!p0 $0x1C02  }
0x4d: {  	[timem:s3], [sflag:s2] =	dma.local @!p0 [hbm:s0], s1  }
0x4e: {  	s0 =	simm.s32 @!p0 $0x2  }
0x4f: {  	_ =	swait.ge @!p0 [sflag:s0], s1  }
0x50: {  	s1 =	ssub.s32 @!p0 $0x0, s1;
	[sflag:s0] =	ssyncset.done @!p0 $0x0  }
0x51: {  	[sflag:s0] =	ssyncadd.s32 @!p0 s1  }
0x52: {  	[bflag:$0x3] =	sbarrier.arrive $0xFFFF  }
0x53: {  	_ =	shalt  }

</sc_bundles>
